<compile_context>
chip_gen: v7x
topology: tpu7x:2x2x1
jax: 0.10.2.dev20260603
libtpu: 0.0.44.dev20260713+nightly
codegen_flags: <defaults>
</compile_context>

<pallas_src>
import functools

import jax
import jax.numpy as jnp
from jax import lax
from jax.experimental import pallas as pl
from jax.experimental.pallas import tpu as pltpu
from jax.experimental.pallas import tpu_sc as plsc

T, D = 32768, 2048
NC, NS = 2, 16
NW = NC * NS
ROWS_PER_W = T // NW
C = 16
H = C // 2
NCH = ROWS_PER_W // C
NGRP = NCH // 2


def kernel(hidden_states, expert_scales):
    s0 = expert_scales[:, 0]
    s1 = expert_scales[:, 1]
    mesh = plsc.VectorSubcoreMesh(core_axis_name="c", subcore_axis_name="s")

    @functools.partial(
        pl.kernel,
        out_type=jax.ShapeDtypeStruct((T, D), jnp.float32),
        mesh=mesh,
        scratch_types=[
            pltpu.VMEM((C, D), jnp.float32),
            pltpu.VMEM((C, D), jnp.float32),
            pltpu.VMEM((H, D), jnp.float32),
            pltpu.VMEM((H, D), jnp.float32),
            pltpu.VMEM((ROWS_PER_W,), jnp.float32),
            pltpu.VMEM((ROWS_PER_W,), jnp.float32),
            pltpu.SemaphoreType.DMA((2,)),
            pltpu.SemaphoreType.DMA((2,)),
            pltpu.SemaphoreType.DMA,
        ],
    )
    def run(h_hbm, s0_hbm, s1_hbm, out_hbm, ib0, ib1, ob0, ob1, s0b, s1b,
            isem, osem, ssem):
        ibufs = (ib0, ib1)
        obufs = (ob0, ob1)
        wid = lax.axis_index("s") * NC + lax.axis_index("c")
        base = wid * ROWS_PER_W

        def start_in(g, b):
            pltpu.async_copy(h_hbm.at[pl.ds(base + g * C, C)], ibufs[b],
                             isem.at[b])

        def wait_in(b):
            pltpu.make_async_copy(h_hbm.at[pl.ds(0, C)], ibufs[b],
                                  isem.at[b]).wait()

        def start_out(g, h, b):
            pltpu.async_copy(obufs[h],
                             out_hbm.at[pl.ds(base + g * C + h * H, H)],
                             osem.at[h])
            del b

        def wait_out(h):
            pltpu.make_async_copy(obufs[h], out_hbm.at[pl.ds(0, H)],
                                  osem.at[h]).wait()

        def compute_half(svec, b, h):
            ib, ob = ibufs[b], obufs[h]
            ssums = [svec[H * h + r] for r in range(H)]

            @plsc.parallel_loop(0, D, step=16, unroll=2)
            def _vec(j):
                for r in range(H):
                    ob[r, pl.ds(j, 16)] = ib[H * h + r, pl.ds(j, 16)] \
                        * ssums[r]

        start_in(0, 0)
        start_in(1, 1)
        c0 = pltpu.async_copy(s0_hbm.at[pl.ds(base, ROWS_PER_W)], s0b, ssem)
        c1 = pltpu.async_copy(s1_hbm.at[pl.ds(base, ROWS_PER_W)], s1b, ssem)
        c0.wait()
        c1.wait()

        @pl.loop(0, NGRP)
        def _grp(k):
            for b in range(2):
                g = 2 * k + b
                wait_in(b)
                svec = s0b[pl.ds(g * C, C)] + s1b[pl.ds(g * C, C)]
                for h in range(2):
                    @pl.when(g >= 1)
                    def _():
                        wait_out(h)

                    compute_half(svec, b, h)
                    start_out(g, h, b)

                @pl.when(k < NGRP - 1)
                def _():
                    start_in(g + 2, b)

        wait_out(0)
        wait_out(1)

    return run(hidden_states, s0, s1)

# --- scband reference (transcript-rebuilt; emitter-appended) ---
"""Pipeline reference for scband-model-vllm-70471823393002 (READ-ONLY COPY).

The authoritative reference and input builder live on the scoring server;
editing this copy changes nothing except your own understanding.
"""

import jax, jax.numpy as jnp
import numpy as np

def setup_inputs(seed: int = 0) -> dict:
    key = jax.random.key(seed)
    k1, k2 = jax.random.split(key)
    hidden_states = jax.random.normal(k1, (32768, 2048), dtype=jnp.float32)
    expert_scales = jax.random.uniform(k2, (32768, 2), dtype=jnp.float32)
    return {"hidden_states": hidden_states, "expert_scales": expert_scales}

def reference(hidden_states, expert_scales):
    # vLLM compute_identity_kernel: for each token, sum the top_k expert scales
    # and multiply every element of that token's hidden state by that sum.
    # output[t, d] = hidden_states[t, d] * sum_k expert_scales[t, k]
    scale_sum = jnp.sum(expert_scales, axis=1, keepdims=True)  # [num_tokens, 1]
    output = hidden_states * scale_sum
    return output

if __name__ == "__main__":
    import jax
    _d = setup_inputs()
    print(jax.jit(kernel)(*tuple(_d.values())))

</pallas_src>

<mosaic_0001>
#map = affine_map<(d0, d1) -> (0, 0)>
#map1 = affine_map<(d0, d1) -> (0)>
module attributes {stable_mosaic.version = 14 : i64} {
  func.func @run(%arg0: i32, %arg1: i32, %arg2: memref<32768x2048xf32, #tpu.memory_space<hbm>>, %arg3: memref<32768xf32, #tpu.memory_space<hbm>>, %arg4: memref<32768xf32, #tpu.memory_space<hbm>>, %arg5: memref<32768x2048xf32, #tpu.memory_space<hbm>>, %arg6: memref<16x2048xf32, #tpu.memory_space<vmem>>, %arg7: memref<16x2048xf32, #tpu.memory_space<vmem>>, %arg8: memref<8x2048xf32, #tpu.memory_space<vmem>>, %arg9: memref<8x2048xf32, #tpu.memory_space<vmem>>, %arg10: memref<1024xf32, #tpu.memory_space<vmem>>, %arg11: memref<1024xf32, #tpu.memory_space<vmem>>, %arg12: memref<2x!tpu.dma_semaphore, #tpu.memory_space<semaphore_mem>>, %arg13: memref<2x!tpu.dma_semaphore, #tpu.memory_space<semaphore_mem>>, %arg14: memref<!tpu.dma_semaphore, #tpu.memory_space<semaphore_mem>>) attributes {dimension_semantics = [#tpu.dimension_semantics<core_parallel>, #tpu.dimension_semantics<subcore_parallel>], iteration_bounds = array<i64: 2, 16>, scalar_prefetch = 0 : i64, scratch_operands = 9 : i64, tpu.core_type = #tpu.core_type<sc_vector_subcore>, window_params = [{transform_indices = #map}, {transform_indices = #map1}, {transform_indices = #map1}, {transform_indices = #map}]} {
    %mul3A = arith.constant 2 : i32
    %mul3A_0 = arith.muli %arg1, %mul3A : i32
    %add3A = arith.addi %mul3A_0, %arg0 : i32
    %mul3A_1 = arith.constant 1024 : i32
    %mul3A_2 = arith.muli %add3A, %mul3A_1 : i32
    %add3A_3 = arith.constant 0 : i32
    %add3A_4 = arith.addi %mul3A_2, %add3A_3 : i32
    %dma_start3A = arith.constant 0 : i32
    %dma_start3A_5 = arith.constant 0 : i32
    %dma_start3A_6 = tpu.memref_slice %arg2[%add3A_4, %dma_start3A_5] : memref<32768x2048xf32, #tpu.memory_space<hbm>> -> memref<16x2048xf32, #tpu.memory_space<hbm>>
    %dma_start3A_7 = tpu.memref_slice %arg12[%dma_start3A] : memref<2x!tpu.dma_semaphore, #tpu.memory_space<semaphore_mem>> -> memref<1x!tpu.dma_semaphore, #tpu.memory_space<semaphore_mem>>
    %dma_start3A_8 = tpu.memref_squeeze %dma_start3A_7 : memref<1x!tpu.dma_semaphore, #tpu.memory_space<semaphore_mem>> -> memref<!tpu.dma_semaphore, #tpu.memory_space<semaphore_mem>>
    %dma_start3A_9 = arith.constant 0 : i32
    %dma_start3A_10 = tpu.memref_slice %arg2[%add3A_4, %dma_start3A_9] : memref<32768x2048xf32, #tpu.memory_space<hbm>> -> memref<16x2048xf32, #tpu.memory_space<hbm>>
    tpu.enqueue_dma source(%dma_start3A_10 : memref<16x2048xf32, #tpu.memory_space<hbm>>) target(%arg6 : memref<16x2048xf32, #tpu.memory_space<vmem>>) target_semaphore(%dma_start3A_8 : memref<!tpu.dma_semaphore, #tpu.memory_space<semaphore_mem>>)
    %add3A_11 = arith.constant 16 : i32
    %add3A_12 = arith.addi %mul3A_2, %add3A_11 : i32
    %dma_start3A_13 = arith.constant 1 : i32
    %dma_start3A_14 = arith.constant 0 : i32
    %dma_start3A_15 = tpu.memref_slice %arg2[%add3A_12, %dma_start3A_14] : memref<32768x2048xf32, #tpu.memory_space<hbm>> -> memref<16x2048xf32, #tpu.memory_space<hbm>>
    %dma_start3A_16 = tpu.memref_slice %arg12[%dma_start3A_13] : memref<2x!tpu.dma_semaphore, #tpu.memory_space<semaphore_mem>> -> memref<1x!tpu.dma_semaphore, #tpu.memory_space<semaphore_mem>>
    %dma_start3A_17 = tpu.memref_squeeze %dma_start3A_16 : memref<1x!tpu.dma_semaphore, #tpu.memory_space<semaphore_mem>> -> memref<!tpu.dma_semaphore, #tpu.memory_space<semaphore_mem>>
    %dma_start3A_18 = arith.constant 0 : i32
    %dma_start3A_19 = tpu.memref_slice %arg2[%add3A_12, %dma_start3A_18] : memref<32768x2048xf32, #tpu.memory_space<hbm>> -> memref<16x2048xf32, #tpu.memory_space<hbm>>
    tpu.enqueue_dma source(%dma_start3A_19 : memref<16x2048xf32, #tpu.memory_space<hbm>>) target(%arg7 : memref<16x2048xf32, #tpu.memory_space<vmem>>) target_semaphore(%dma_start3A_17 : memref<!tpu.dma_semaphore, #tpu.memory_space<semaphore_mem>>)
    %dma_start3A_20 = tpu.memref_slice %arg3[%mul3A_2] : memref<32768xf32, #tpu.memory_space<hbm>> -> memref<1024xf32, #tpu.memory_space<hbm>>
    %dma_start3A_21 = tpu.memref_slice %arg3[%mul3A_2] : memref<32768xf32, #tpu.memory_space<hbm>> -> memref<1024xf32, #tpu.memory_space<hbm>>
    tpu.enqueue_dma source(%dma_start3A_21 : memref<1024xf32, #tpu.memory_space<hbm>>) target(%arg10 : memref<1024xf32, #tpu.memory_space<vmem>>) target_semaphore(%arg14 : memref<!tpu.dma_semaphore, #tpu.memory_space<semaphore_mem>>)
    %dma_start3A_22 = tpu.memref_slice %arg4[%mul3A_2] : memref<32768xf32, #tpu.memory_space<hbm>> -> memref<1024xf32, #tpu.memory_space<hbm>>
    %dma_start3A_23 = tpu.memref_slice %arg4[%mul3A_2] : memref<32768xf32, #tpu.memory_space<hbm>> -> memref<1024xf32, #tpu.memory_space<hbm>>
    tpu.enqueue_dma source(%dma_start3A_23 : memref<1024xf32, #tpu.memory_space<hbm>>) target(%arg11 : memref<1024xf32, #tpu.memory_space<vmem>>) target_semaphore(%arg14 : memref<!tpu.dma_semaphore, #tpu.memory_space<semaphore_mem>>)
    %dma_wait3A = tpu.memref_slice %arg3[%mul3A_2] : memref<32768xf32, #tpu.memory_space<hbm>> -> memref<1024xf32, #tpu.memory_space<hbm>>
    %dma_wait3A_24 = tpu.memref_slice %arg3[%mul3A_2] : memref<32768xf32, #tpu.memory_space<hbm>> -> memref<1024xf32, #tpu.memory_space<hbm>>
    tpu.wait_dma2 semaphore(%arg14 : memref<!tpu.dma_semaphore, #tpu.memory_space<semaphore_mem>>) src(%dma_wait3A_24 : memref<1024xf32, #tpu.memory_space<hbm>>) dst(%arg10 : memref<1024xf32, #tpu.memory_space<vmem>>)
    %dma_wait3A_25 = tpu.memref_slice %arg4[%mul3A_2] : memref<32768xf32, #tpu.memory_space<hbm>> -> memref<1024xf32, #tpu.memory_space<hbm>>
    %dma_wait3A_26 = tpu.memref_slice %arg4[%mul3A_2] : memref<32768xf32, #tpu.memory_space<hbm>> -> memref<1024xf32, #tpu.memory_space<hbm>>
    tpu.wait_dma2 semaphore(%arg14 : memref<!tpu.dma_semaphore, #tpu.memory_space<semaphore_mem>>) src(%dma_wait3A_26 : memref<1024xf32, #tpu.memory_space<hbm>>) dst(%arg11 : memref<1024xf32, #tpu.memory_space<vmem>>)
    %scan3A = arith.constant 0 : i32
    %scan3A_27 = arith.constant 32 : i32
    %scan3A_28 = arith.addi %scan3A, %scan3A_27 : i32
    %scan3A_29 = arith.constant 1 : i32
    scf.for %scan3A_49 = %scan3A to %scan3A_28 step %scan3A_29  : i32 {
      %mul3A_50 = arith.constant 1 : i32
      %mul3A_51 = arith.muli %scan3A_49, %mul3A_50 : i32
      %add3A_52 = arith.constant 0 : i32
      %add3A_53 = arith.addi %add3A_52, %mul3A_51 : i32
      %mul3A_54 = arith.constant 2 : i32
      %mul3A_55 = arith.muli %mul3A_54, %add3A_53 : i32
      %add3A_56 = arith.constant 0 : i32
      %add3A_57 = arith.addi %mul3A_55, %add3A_56 : i32
      %dma_wait3A_58 = arith.constant 0 : i32
      %dma_wait3A_59 = arith.constant 0 : i32
      %dma_wait3A_60 = arith.constant 0 : i32
      %dma_wait3A_61 = tpu.memref_slice %arg2[%dma_wait3A_59, %dma_wait3A_60] : memref<32768x2048xf32, #tpu.memory_space<hbm>> -> memref<16x2048xf32, #tpu.memory_space<hbm>>
      %dma_wait3A_62 = tpu.memref_slice %arg12[%dma_wait3A_58] : memref<2x!tpu.dma_semaphore, #tpu.memory_space<semaphore_mem>> -> memref<1x!tpu.dma_semaphore, #tpu.memory_space<semaphore_mem>>
      %dma_wait3A_63 = tpu.memref_squeeze %dma_wait3A_62 : memref<1x!tpu.dma_semaphore, #tpu.memory_space<semaphore_mem>> -> memref<!tpu.dma_semaphore, #tpu.memory_space<semaphore_mem>>
      %dma_wait3A_64 = arith.constant 0 : i32
      %dma_wait3A_65 = arith.constant 0 : i32
      %dma_wait3A_66 = tpu.memref_slice %arg2[%dma_wait3A_64, %dma_wait3A_65] : memref<32768x2048xf32, #tpu.memory_space<hbm>> -> memref<16x2048xf32, #tpu.memory_space<hbm>>
      tpu.wait_dma2 semaphore(%dma_wait3A_63 : memref<!tpu.dma_semaphore, #tpu.memory_space<semaphore_mem>>) src(%dma_wait3A_66 : memref<16x2048xf32, #tpu.memory_space<hbm>>) dst(%arg6 : memref<16x2048xf32, #tpu.memory_space<vmem>>)
      %mul3A_67 = arith.constant 16 : i32
      %mul3A_68 = arith.muli %add3A_57, %mul3A_67 : i32
      %get3A = arith.index_cast %mul3A_68 : i32 to index
      %get3A_69 = tpu.vector_load %arg10[%get3A] {strides = array<i32>} : memref<1024xf32, #tpu.memory_space<vmem>>, vector<16xf32>,
      %get3A_70 = vector.shape_cast %get3A_69 : vector<16xf32> to vector<16xf32>
      %mul3A_71 = arith.constant 16 : i32
      %mul3A_72 = arith.muli %add3A_57, %mul3A_71 : i32
      %get3A_73 = arith.index_cast %mul3A_72 : i32 to index
      %get3A_74 = tpu.vector_load %arg11[%get3A_73] {strides = array<i32>} : memref<1024xf32, #tpu.memory_space<vmem>>, vector<16xf32>,
      %get3A_75 = vector.shape_cast %get3A_74 : vector<16xf32> to vector<16xf32>
      %add3A_76 = arith.addf %get3A_70, %get3A_75 : vector<16xf32>
      %ge3A = arith.constant 1 : i32
      %ge3A_77 = arith.cmpi sge, %add3A_57, %ge3A : i32
      %convert_element_type3A = arith.extui %ge3A_77 : i1 to i32
      %cond3A = arith.constant 0 : i32
      %cond3A_78 = arith.cmpi ne, %convert_element_type3A, %cond3A : i32
      scf.if %cond3A_78 {
        %dma_wait3A_248 = arith.constant 0 : i32
        %dma_wait3A_249 = arith.constant 0 : i32
        %dma_wait3A_250 = arith.constant 0 : i32
        %dma_wait3A_251 = tpu.memref_slice %arg5[%dma_wait3A_249, %dma_wait3A_250] : memref<32768x2048xf32, #tpu.memory_space<hbm>> -> memref<8x2048xf32, #tpu.memory_space<hbm>>
        %dma_wait3A_252 = tpu.memref_slice %arg13[%dma_wait3A_248] : memref<2x!tpu.dma_semaphore, #tpu.memory_space<semaphore_mem>> -> memref<1x!tpu.dma_semaphore, #tpu.memory_space<semaphore_mem>>
        %dma_wait3A_253 = tpu.memref_squeeze %dma_wait3A_252 : memref<1x!tpu.dma_semaphore, #tpu.memory_space<semaphore_mem>> -> memref<!tpu.dma_semaphore, #tpu.memory_space<semaphore_mem>>
        %dma_wait3A_254 = arith.constant 0 : i32
        %dma_wait3A_255 = arith.constant 0 : i32
        %dma_wait3A_256 = tpu.memref_slice %arg5[%dma_wait3A_254, %dma_wait3A_255] : memref<32768x2048xf32, #tpu.memory_space<hbm>> -> memref<8x2048xf32, #tpu.memory_space<hbm>>
        tpu.wait_dma2 semaphore(%dma_wait3A_253 : memref<!tpu.dma_semaphore, #tpu.memory_space<semaphore_mem>>) src(%arg8 : memref<8x2048xf32, #tpu.memory_space<vmem>>) dst(%dma_wait3A_256 : memref<8x2048xf32, #tpu.memory_space<hbm>>)
      } else {
      }
      %slice3A = vector.extract_strided_slice %add3A_76 {offsets = [0], sizes = [1], strides = [1]} : vector<16xf32> to vector<1xf32>
      %squeeze3A = vector.extract %slice3A[0] : f32 from vector<1xf32>
      %slice3A_79 = vector.extract_strided_slice %add3A_76 {offsets = [1], sizes = [1], strides = [1]} : vector<16xf32> to vector<1xf32>
      %squeeze3A_80 = vector.extract %slice3A_79[0] : f32 from vector<1xf32>
      %slice3A_81 = vector.extract_strided_slice %add3A_76 {offsets = [2], sizes = [1], strides = [1]} : vector<16xf32> to vector<1xf32>
      %squeeze3A_82 = vector.extract %slice3A_81[0] : f32 from vector<1xf32>
      %slice3A_83 = vector.extract_strided_slice %add3A_76 {offsets = [3], sizes = [1], strides = [1]} : vector<16xf32> to vector<1xf32>
      %squeeze3A_84 = vector.extract %slice3A_83[0] : f32 from vector<1xf32>
      %slice3A_85 = vector.extract_strided_slice %add3A_76 {offsets = [4], sizes = [1], strides = [1]} : vector<16xf32> to vector<1xf32>
      %squeeze3A_86 = vector.extract %slice3A_85[0] : f32 from vector<1xf32>
      %slice3A_87 = vector.extract_strided_slice %add3A_76 {offsets = [5], sizes = [1], strides = [1]} : vector<16xf32> to vector<1xf32>
      %squeeze3A_88 = vector.extract %slice3A_87[0] : f32 from vector<1xf32>
      %slice3A_89 = vector.extract_strided_slice %add3A_76 {offsets = [6], sizes = [1], strides = [1]} : vector<16xf32> to vector<1xf32>
      %squeeze3A_90 = vector.extract %slice3A_89[0] : f32 from vector<1xf32>
      %slice3A_91 = vector.extract_strided_slice %add3A_76 {offsets = [7], sizes = [1], strides = [1]} : vector<16xf32> to vector<1xf32>
      %squeeze3A_92 = vector.extract %slice3A_91[0] : f32 from vector<1xf32>
      %parallel_loop3A = arith.constant 0 : i32
      %parallel_loop3A_93 = arith.constant 2048 : i32
      %parallel_loop3A_94 = arith.constant 16 : i32
      scf.for %parallel_loop3A_248 = %parallel_loop3A to %parallel_loop3A_93 step %parallel_loop3A_94  : i32 {
        %parallel_loop3A_249 = arith.constant 0 : i32
        %parallel_loop3A_250 = arith.index_cast %parallel_loop3A_249 : i32 to index
        %parallel_loop3A_251 = arith.index_cast %parallel_loop3A_248 : i32 to index
        %parallel_loop3A_252 = tpu.vector_load %arg6[%parallel_loop3A_250, %parallel_loop3A_251] {strides = array<i32>} : memref<16x2048xf32, #tpu.memory_space<vmem>>, vector<1x16xf32>,
        %parallel_loop3A_253 = vector.shape_cast %parallel_loop3A_252 : vector<1x16xf32> to vector<16xf32>
        %parallel_loop3A_254 = vector.broadcast %squeeze3A : f32 to vector<16xf32>
        %parallel_loop3A_255 = arith.mulf %parallel_loop3A_253, %parallel_loop3A_254 : vector<16xf32>
        %parallel_loop3A_256 = arith.constant 0 : i32
        %parallel_loop3A_257 = arith.index_cast %parallel_loop3A_256 : i32 to index
        %parallel_loop3A_258 = arith.index_cast %parallel_loop3A_248 : i32 to index
        %parallel_loop3A_259 = tpu.vector_load %arg8[%parallel_loop3A_257, %parallel_loop3A_258] {strides = array<i32>} : memref<8x2048xf32, #tpu.memory_space<vmem>>, vector<1x16xf32>,
        %parallel_loop3A_260 = vector.shape_cast %parallel_loop3A_259 : vector<1x16xf32> to vector<16xf32>
        %parallel_loop3A_261 = vector.shape_cast %parallel_loop3A_255 : vector<16xf32> to vector<1x16xf32>
        tpu.vector_store %arg8[%parallel_loop3A_257, %parallel_loop3A_258], %parallel_loop3A_261 {strides = array<i32>} : memref<8x2048xf32, #tpu.memory_space<vmem>>, vector<1x16xf32>,
        %parallel_loop3A_262 = arith.constant 1 : i32
        %parallel_loop3A_263 = arith.index_cast %parallel_loop3A_262 : i32 to index
        %parallel_loop3A_264 = arith.index_cast %parallel_loop3A_248 : i32 to index
        %parallel_loop3A_265 = tpu.vector_load %arg6[%parallel_loop3A_263, %parallel_loop3A_264] {strides = array<i32>} : memref<16x2048xf32, #tpu.memory_space<vmem>>, vector<1x16xf32>,
        %parallel_loop3A_266 = vector.shape_cast %parallel_loop3A_265 : vector<1x16xf32> to vector<16xf32>
        %parallel_loop3A_267 = vector.broadcast %squeeze3A_80 : f32 to vector<16xf32>
        %parallel_loop3A_268 = arith.mulf %parallel_loop3A_266, %parallel_loop3A_267 : vector<16xf32>
        %parallel_loop3A_269 = arith.constant 1 : i32
        %parallel_loop3A_270 = arith.index_cast %parallel_loop3A_269 : i32 to index
        %parallel_loop3A_271 = arith.index_cast %parallel_loop3A_248 : i32 to index
        %parallel_loop3A_272 = tpu.vector_load %arg8[%parallel_loop3A_270, %parallel_loop3A_271] {strides = array<i32>} : memref<8x2048xf32, #tpu.memory_space<vmem>>, vector<1x16xf32>,
        %parallel_loop3A_273 = vector.shape_cast %parallel_loop3A_272 : vector<1x16xf32> to vector<16xf32>
        %parallel_loop3A_274 = vector.shape_cast %parallel_loop3A_268 : vector<16xf32> to vector<1x16xf32>
        tpu.vector_store %arg8[%parallel_loop3A_270, %parallel_loop3A_271], %parallel_loop3A_274 {strides = array<i32>} : memref<8x2048xf32, #tpu.memory_space<vmem>>, vector<1x16xf32>,
        %parallel_loop3A_275 = arith.constant 2 : i32
        %parallel_loop3A_276 = arith.index_cast %parallel_loop3A_275 : i32 to index
        %parallel_loop3A_277 = arith.index_cast %parallel_loop3A_248 : i32 to index
        %parallel_loop3A_278 = tpu.vector_load %arg6[%parallel_loop3A_276, %parallel_loop3A_277] {strides = array<i32>} : memref<16x2048xf32, #tpu.memory_space<vmem>>, vector<1x16xf32>,
        %parallel_loop3A_279 = vector.shape_cast %parallel_loop3A_278 : vector<1x16xf32> to vector<16xf32>
        %parallel_loop3A_280 = vector.broadcast %squeeze3A_82 : f32 to vector<16xf32>
        %parallel_loop3A_281 = arith.mulf %parallel_loop3A_279, %parallel_loop3A_280 : vector<16xf32>
        %parallel_loop3A_282 = arith.constant 2 : i32
        %parallel_loop3A_283 = arith.index_cast %parallel_loop3A_282 : i32 to index
        %parallel_loop3A_284 = arith.index_cast %parallel_loop3A_248 : i32 to index
        %parallel_loop3A_285 = tpu.vector_load %arg8[%parallel_loop3A_283, %parallel_loop3A_284] {strides = array<i32>} : memref<8x2048xf32, #tpu.memory_space<vmem>>, vector<1x16xf32>,
        %parallel_loop3A_286 = vector.shape_cast %parallel_loop3A_285 : vector<1x16xf32> to vector<16xf32>
        %parallel_loop3A_287 = vector.shape_cast %parallel_loop3A_281 : vector<16xf32> to vector<1x16xf32>
        tpu.vector_store %arg8[%parallel_loop3A_283, %parallel_loop3A_284], %parallel_loop3A_287 {strides = array<i32>} : memref<8x2048xf32, #tpu.memory_space<vmem>>, vector<1x16xf32>,
        %parallel_loop3A_288 = arith.constant 3 : i32
        %parallel_loop3A_289 = arith.index_cast %parallel_loop3A_288 : i32 to index
        %parallel_loop3A_290 = arith.index_cast %parallel_loop3A_248 : i32 to index
        %parallel_loop3A_291 = tpu.vector_load %arg6[%parallel_loop3A_289, %parallel_loop3A_290] {strides = array<i32>} : memref<16x2048xf32, #tpu.memory_space<vmem>>, vector<1x16xf32>,
        %parallel_loop3A_292 = vector.shape_cast %parallel_loop3A_291 : vector<1x16xf32> to vector<16xf32>
        %parallel_loop3A_293 = vector.broadcast %squeeze3A_84 : f32 to vector<16xf32>
        %parallel_loop3A_294 = arith.mulf %parallel_loop3A_292, %parallel_loop3A_293 : vector<16xf32>
        %parallel_loop3A_295 = arith.constant 3 : i32
        %parallel_loop3A_296 = arith.index_cast %parallel_loop3A_295 : i32 to index
        %parallel_loop3A_297 = arith.index_cast %parallel_loop3A_248 : i32 to index
        %parallel_loop3A_298 = tpu.vector_load %arg8[%parallel_loop3A_296, %parallel_loop3A_297] {strides = array<i32>} : memref<8x2048xf32, #tpu.memory_space<vmem>>, vector<1x16xf32>,
        %parallel_loop3A_299 = vector.shape_cast %parallel_loop3A_298 : vector<1x16xf32> to vector<16xf32>
        %parallel_loop3A_300 = vector.shape_cast %parallel_loop3A_294 : vector<16xf32> to vector<1x16xf32>
        tpu.vector_store %arg8[%parallel_loop3A_296, %parallel_loop3A_297], %parallel_loop3A_300 {strides = array<i32>} : memref<8x2048xf32, #tpu.memory_space<vmem>>, vector<1x16xf32>,
        %parallel_loop3A_301 = arith.constant 4 : i32
        %parallel_loop3A_302 = arith.index_cast %parallel_loop3A_301 : i32 to index
        %parallel_loop3A_303 = arith.index_cast %parallel_loop3A_248 : i32 to index
        %parallel_loop3A_304 = tpu.vector_load %arg6[%parallel_loop3A_302, %parallel_loop3A_303] {strides = array<i32>} : memref<16x2048xf32, #tpu.memory_space<vmem>>, vector<1x16xf32>,
        %parallel_loop3A_305 = vector.shape_cast %parallel_loop3A_304 : vector<1x16xf32> to vector<16xf32>
        %parallel_loop3A_306 = vector.broadcast %squeeze3A_86 : f32 to vector<16xf32>
        %parallel_loop3A_307 = arith.mulf %parallel_loop3A_305, %parallel_loop3A_306 : vector<16xf32>
        %parallel_loop3A_308 = arith.constant 4 : i32
        %parallel_loop3A_309 = arith.index_cast %parallel_loop3A_308 : i32 to index
        %parallel_loop3A_310 = arith.index_cast %parallel_loop3A_248 : i32 to index
        %parallel_loop3A_311 = tpu.vector_load %arg8[%parallel_loop3A_309, %parallel_loop3A_310] {strides = array<i32>} : memref<8x2048xf32, #tpu.memory_space<vmem>>, vector<1x16xf32>,
        %parallel_loop3A_312 = vector.shape_cast %parallel_loop3A_311 : vector<1x16xf32> to vector<16xf32>
        %parallel_loop3A_313 = vector.shape_cast %parallel_loop3A_307 : vector<16xf32> to vector<1x16xf32>
        tpu.vector_store %arg8[%parallel_loop3A_309, %parallel_loop3A_310], %parallel_loop3A_313 {strides = array<i32>} : memref<8x2048xf32, #tpu.memory_space<vmem>>, vector<1x16xf32>,
        %parallel_loop3A_314 = arith.constant 5 : i32
        %parallel_loop3A_315 = arith.index_cast %parallel_loop3A_314 : i32 to index
        %parallel_loop3A_316 = arith.index_cast %parallel_loop3A_248 : i32 to index
        %parallel_loop3A_317 = tpu.vector_load %arg6[%parallel_loop3A_315, %parallel_loop3A_316] {strides = array<i32>} : memref<16x2048xf32, #tpu.memory_space<vmem>>, vector<1x16xf32>,
        %parallel_loop3A_318 = vector.shape_cast %parallel_loop3A_317 : vector<1x16xf32> to vector<16xf32>
        %parallel_loop3A_319 = vector.broadcast %squeeze3A_88 : f32 to vector<16xf32>
        %parallel_loop3A_320 = arith.mulf %parallel_loop3A_318, %parallel_loop3A_319 : vector<16xf32>
        %parallel_loop3A_321 = arith.constant 5 : i32
        %parallel_loop3A_322 = arith.index_cast %parallel_loop3A_321 : i32 to index
        %parallel_loop3A_323 = arith.index_cast %parallel_loop3A_248 : i32 to index
        %parallel_loop3A_324 = tpu.vector_load %arg8[%parallel_loop3A_322, %parallel_loop3A_323] {strides = array<i32>} : memref<8x2048xf32, #tpu.memory_space<vmem>>, vector<1x16xf32>,
        %parallel_loop3A_325 = vector.shape_cast %parallel_loop3A_324 : vector<1x16xf32> to vector<16xf32>
        %parallel_loop3A_326 = vector.shape_cast %parallel_loop3A_320 : vector<16xf32> to vector<1x16xf32>
        tpu.vector_store %arg8[%parallel_loop3A_322, %parallel_loop3A_323], %parallel_loop3A_326 {strides = array<i32>} : memref<8x2048xf32, #tpu.memory_space<vmem>>, vector<1x16xf32>,
        %parallel_loop3A_327 = arith.constant 6 : i32
        %parallel_loop3A_328 = arith.index_cast %parallel_loop3A_327 : i32 to index
        %parallel_loop3A_329 = arith.index_cast %parallel_loop3A_248 : i32 to index
        %parallel_loop3A_330 = tpu.vector_load %arg6[%parallel_loop3A_328, %parallel_loop3A_329] {strides = array<i32>} : memref<16x2048xf32, #tpu.memory_space<vmem>>, vector<1x16xf32>,
        %parallel_loop3A_331 = vector.shape_cast %parallel_loop3A_330 : vector<1x16xf32> to vector<16xf32>
        %parallel_loop3A_332 = vector.broadcast %squeeze3A_90 : f32 to vector<16xf32>
        %parallel_loop3A_333 = arith.mulf %parallel_loop3A_331, %parallel_loop3A_332 : vector<16xf32>
        %parallel_loop3A_334 = arith.constant 6 : i32
        %parallel_loop3A_335 = arith.index_cast %parallel_loop3A_334 : i32 to index
        %parallel_loop3A_336 = arith.index_cast %parallel_loop3A_248 : i32 to index
        %parallel_loop3A_337 = tpu.vector_load %arg8[%parallel_loop3A_335, %parallel_loop3A_336] {strides = array<i32>} : memref<8x2048xf32, #tpu.memory_space<vmem>>, vector<1x16xf32>,
        %parallel_loop3A_338 = vector.shape_cast %parallel_loop3A_337 : vector<1x16xf32> to vector<16xf32>
        %parallel_loop3A_339 = vector.shape_cast %parallel_loop3A_333 : vector<16xf32> to vector<1x16xf32>
        tpu.vector_store %arg8[%parallel_loop3A_335, %parallel_loop3A_336], %parallel_loop3A_339 {strides = array<i32>} : memref<8x2048xf32, #tpu.memory_space<vmem>>, vector<1x16xf32>,
        %parallel_loop3A_340 = arith.constant 7 : i32
        %parallel_loop3A_341 = arith.index_cast %parallel_loop3A_340 : i32 to index
        %parallel_loop3A_342 = arith.index_cast %parallel_loop3A_248 : i32 to index
        %parallel_loop3A_343 = tpu.vector_load %arg6[%parallel_loop3A_341, %parallel_loop3A_342] {strides = array<i32>} : memref<16x2048xf32, #tpu.memory_space<vmem>>, vector<1x16xf32>,
        %parallel_loop3A_344 = vector.shape_cast %parallel_loop3A_343 : vector<1x16xf32> to vector<16xf32>
        %parallel_loop3A_345 = vector.broadcast %squeeze3A_92 : f32 to vector<16xf32>
        %parallel_loop3A_346 = arith.mulf %parallel_loop3A_344, %parallel_loop3A_345 : vector<16xf32>
        %parallel_loop3A_347 = arith.constant 7 : i32
        %parallel_loop3A_348 = arith.index_cast %parallel_loop3A_347 : i32 to index
        %parallel_loop3A_349 = arith.index_cast %parallel_loop3A_248 : i32 to index
        %parallel_loop3A_350 = tpu.vector_load %arg8[%parallel_loop3A_348, %parallel_loop3A_349] {strides = array<i32>} : memref<8x2048xf32, #tpu.memory_space<vmem>>, vector<1x16xf32>,
        %parallel_loop3A_351 = vector.shape_cast %parallel_loop3A_350 : vector<1x16xf32> to vector<16xf32>
        %parallel_loop3A_352 = vector.shape_cast %parallel_loop3A_346 : vector<16xf32> to vector<1x16xf32>
        tpu.vector_store %arg8[%parallel_loop3A_348, %parallel_loop3A_349], %parallel_loop3A_352 {strides = array<i32>} : memref<8x2048xf32, #tpu.memory_space<vmem>>, vector<1x16xf32>,
      } {sc.loop_unroll_factor = 2 : i64, sc.parallel_access}
      %mul3A_95 = arith.constant 16 : i32
      %mul3A_96 = arith.muli %add3A_57, %mul3A_95 : i32
      %add3A_97 = arith.addi %mul3A_2, %mul3A_96 : i32
      %add3A_98 = arith.constant 0 : i32
      %add3A_99 = arith.addi %add3A_97, %add3A_98 : i32
      %dma_start3A_100 = arith.constant 0 : i32
      %dma_start3A_101 = arith.constant 0 : i32
      %dma_start3A_102 = tpu.memref_slice %arg5[%add3A_99, %dma_start3A_101] : memref<32768x2048xf32, #tpu.memory_space<hbm>> -> memref<8x2048xf32, #tpu.memory_space<hbm>>
      %dma_start3A_103 = tpu.memref_slice %arg13[%dma_start3A_100] : memref<2x!tpu.dma_semaphore, #tpu.memory_space<semaphore_mem>> -> memref<1x!tpu.dma_semaphore, #tpu.memory_space<semaphore_mem>>
      %dma_start3A_104 = tpu.memref_squeeze %dma_start3A_103 : memref<1x!tpu.dma_semaphore, #tpu.memory_space<semaphore_mem>> -> memref<!tpu.dma_semaphore, #tpu.memory_space<semaphore_mem>>
      %dma_start3A_105 = arith.constant 0 : i32
      %dma_start3A_106 = tpu.memref_slice %arg5[%add3A_99, %dma_start3A_105] : memref<32768x2048xf32, #tpu.memory_space<hbm>> -> memref<8x2048xf32, #tpu.memory_space<hbm>>
      tpu.enqueue_dma source(%arg8 : memref<8x2048xf32, #tpu.memory_space<vmem>>) target(%dma_start3A_106 : memref<8x2048xf32, #tpu.memory_space<hbm>>) target_semaphore(%dma_start3A_104 : memref<!tpu.dma_semaphore, #tpu.memory_space<semaphore_mem>>)
      %ge3A_107 = arith.constant 1 : i32
      %ge3A_108 = arith.cmpi sge, %add3A_57, %ge3A_107 : i32
      %convert_element_type3A_109 = arith.extui %ge3A_108 : i1 to i32
      %cond3A_110 = arith.constant 0 : i32
      %cond3A_111 = arith.cmpi ne, %convert_element_type3A_109, %cond3A_110 : i32
      scf.if %cond3A_111 {
        %dma_wait3A_248 = arith.constant 1 : i32
        %dma_wait3A_249 = arith.constant 0 : i32
        %dma_wait3A_250 = arith.constant 0 : i32
        %dma_wait3A_251 = tpu.memref_slice %arg5[%dma_wait3A_249, %dma_wait3A_250] : memref<32768x2048xf32, #tpu.memory_space<hbm>> -> memref<8x2048xf32, #tpu.memory_space<hbm>>
        %dma_wait3A_252 = tpu.memref_slice %arg13[%dma_wait3A_248] : memref<2x!tpu.dma_semaphore, #tpu.memory_space<semaphore_mem>> -> memref<1x!tpu.dma_semaphore, #tpu.memory_space<semaphore_mem>>
        %dma_wait3A_253 = tpu.memref_squeeze %dma_wait3A_252 : memref<1x!tpu.dma_semaphore, #tpu.memory_space<semaphore_mem>> -> memref<!tpu.dma_semaphore, #tpu.memory_space<semaphore_mem>>
        %dma_wait3A_254 = arith.constant 0 : i32
        %dma_wait3A_255 = arith.constant 0 : i32
        %dma_wait3A_256 = tpu.memref_slice %arg5[%dma_wait3A_254, %dma_wait3A_255] : memref<32768x2048xf32, #tpu.memory_space<hbm>> -> memref<8x2048xf32, #tpu.memory_space<hbm>>
        tpu.wait_dma2 semaphore(%dma_wait3A_253 : memref<!tpu.dma_semaphore, #tpu.memory_space<semaphore_mem>>) src(%arg9 : memref<8x2048xf32, #tpu.memory_space<vmem>>) dst(%dma_wait3A_256 : memref<8x2048xf32, #tpu.memory_space<hbm>>)
      } else {
      }
      %slice3A_112 = vector.extract_strided_slice %add3A_76 {offsets = [8], sizes = [1], strides = [1]} : vector<16xf32> to vector<1xf32>
      %squeeze3A_113 = vector.extract %slice3A_112[0] : f32 from vector<1xf32>
      %slice3A_114 = vector.extract_strided_slice %add3A_76 {offsets = [9], sizes = [1], strides = [1]} : vector<16xf32> to vector<1xf32>
      %squeeze3A_115 = vector.extract %slice3A_114[0] : f32 from vector<1xf32>
      %slice3A_116 = vector.extract_strided_slice %add3A_76 {offsets = [10], sizes = [1], strides = [1]} : vector<16xf32> to vector<1xf32>
      %squeeze3A_117 = vector.extract %slice3A_116[0] : f32 from vector<1xf32>
      %slice3A_118 = vector.extract_strided_slice %add3A_76 {offsets = [11], sizes = [1], strides = [1]} : vector<16xf32> to vector<1xf32>
      %squeeze3A_119 = vector.extract %slice3A_118[0] : f32 from vector<1xf32>
      %slice3A_120 = vector.extract_strided_slice %add3A_76 {offsets = [12], sizes = [1], strides = [1]} : vector<16xf32> to vector<1xf32>
      %squeeze3A_121 = vector.extract %slice3A_120[0] : f32 from vector<1xf32>
      %slice3A_122 = vector.extract_strided_slice %add3A_76 {offsets = [13], sizes = [1], strides = [1]} : vector<16xf32> to vector<1xf32>
      %squeeze3A_123 = vector.extract %slice3A_122[0] : f32 from vector<1xf32>
      %slice3A_124 = vector.extract_strided_slice %add3A_76 {offsets = [14], sizes = [1], strides = [1]} : vector<16xf32> to vector<1xf32>
      %squeeze3A_125 = vector.extract %slice3A_124[0] : f32 from vector<1xf32>
      %slice3A_126 = vector.extract_strided_slice %add3A_76 {offsets = [15], sizes = [1], strides = [1]} : vector<16xf32> to vector<1xf32>
      %squeeze3A_127 = vector.extract %slice3A_126[0] : f32 from vector<1xf32>
      %parallel_loop3A_128 = arith.constant 0 : i32
      %parallel_loop3A_129 = arith.constant 2048 : i32
      %parallel_loop3A_130 = arith.constant 16 : i32
      scf.for %parallel_loop3A_248 = %parallel_loop3A_128 to %parallel_loop3A_129 step %parallel_loop3A_130  : i32 {
        %parallel_loop3A_249 = arith.constant 8 : i32
        %parallel_loop3A_250 = arith.index_cast %parallel_loop3A_249 : i32 to index
        %parallel_loop3A_251 = arith.index_cast %parallel_loop3A_248 : i32 to index
        %parallel_loop3A_252 = tpu.vector_load %arg6[%parallel_loop3A_250, %parallel_loop3A_251] {strides = array<i32>} : memref<16x2048xf32, #tpu.memory_space<vmem>>, vector<1x16xf32>,
        %parallel_loop3A_253 = vector.shape_cast %parallel_loop3A_252 : vector<1x16xf32> to vector<16xf32>
        %parallel_loop3A_254 = vector.broadcast %squeeze3A_113 : f32 to vector<16xf32>
        %parallel_loop3A_255 = arith.mulf %parallel_loop3A_253, %parallel_loop3A_254 : vector<16xf32>
        %parallel_loop3A_256 = arith.constant 0 : i32
        %parallel_loop3A_257 = arith.index_cast %parallel_loop3A_256 : i32 to index
        %parallel_loop3A_258 = arith.index_cast %parallel_loop3A_248 : i32 to index
        %parallel_loop3A_259 = tpu.vector_load %arg9[%parallel_loop3A_257, %parallel_loop3A_258] {strides = array<i32>} : memref<8x2048xf32, #tpu.memory_space<vmem>>, vector<1x16xf32>,
        %parallel_loop3A_260 = vector.shape_cast %parallel_loop3A_259 : vector<1x16xf32> to vector<16xf32>
        %parallel_loop3A_261 = vector.shape_cast %parallel_loop3A_255 : vector<16xf32> to vector<1x16xf32>
        tpu.vector_store %arg9[%parallel_loop3A_257, %parallel_loop3A_258], %parallel_loop3A_261 {strides = array<i32>} : memref<8x2048xf32, #tpu.memory_space<vmem>>, vector<1x16xf32>,
        %parallel_loop3A_262 = arith.constant 9 : i32
        %parallel_loop3A_263 = arith.index_cast %parallel_loop3A_262 : i32 to index
        %parallel_loop3A_264 = arith.index_cast %parallel_loop3A_248 : i32 to index
        %parallel_loop3A_265 = tpu.vector_load %arg6[%parallel_loop3A_263, %parallel_loop3A_264] {strides = array<i32>} : memref<16x2048xf32, #tpu.memory_space<vmem>>, vector<1x16xf32>,
        %parallel_loop3A_266 = vector.shape_cast %parallel_loop3A_265 : vector<1x16xf32> to vector<16xf32>
        %parallel_loop3A_267 = vector.broadcast %squeeze3A_115 : f32 to vector<16xf32>
        %parallel_loop3A_268 = arith.mulf %parallel_loop3A_266, %parallel_loop3A_267 : vector<16xf32>
        %parallel_loop3A_269 = arith.constant 1 : i32
        %parallel_loop3A_270 = arith.index_cast %parallel_loop3A_269 : i32 to index
        %parallel_loop3A_271 = arith.index_cast %parallel_loop3A_248 : i32 to index
        %parallel_loop3A_272 = tpu.vector_load %arg9[%parallel_loop3A_270, %parallel_loop3A_271] {strides = array<i32>} : memref<8x2048xf32, #tpu.memory_space<vmem>>, vector<1x16xf32>,
        %parallel_loop3A_273 = vector.shape_cast %parallel_loop3A_272 : vector<1x16xf32> to vector<16xf32>
        %parallel_loop3A_274 = vector.shape_cast %parallel_loop3A_268 : vector<16xf32> to vector<1x16xf32>
        tpu.vector_store %arg9[%parallel_loop3A_270, %parallel_loop3A_271], %parallel_loop3A_274 {strides = array<i32>} : memref<8x2048xf32, #tpu.memory_space<vmem>>, vector<1x16xf32>,
        %parallel_loop3A_275 = arith.constant 10 : i32
        %parallel_loop3A_276 = arith.index_cast %parallel_loop3A_275 : i32 to index
        %parallel_loop3A_277 = arith.index_cast %parallel_loop3A_248 : i32 to index
        %parallel_loop3A_278 = tpu.vector_load %arg6[%parallel_loop3A_276, %parallel_loop3A_277] {strides = array<i32>} : memref<16x2048xf32, #tpu.memory_space<vmem>>, vector<1x16xf32>,
        %parallel_loop3A_279 = vector.shape_cast %parallel_loop3A_278 : vector<1x16xf32> to vector<16xf32>
        %parallel_loop3A_280 = vector.broadcast %squeeze3A_117 : f32 to vector<16xf32>
        %parallel_loop3A_281 = arith.mulf %parallel_loop3A_279, %parallel_loop3A_280 : vector<16xf32>
        %parallel_loop3A_282 = arith.constant 2 : i32
        %parallel_loop3A_283 = arith.index_cast %parallel_loop3A_282 : i32 to index
        %parallel_loop3A_284 = arith.index_cast %parallel_loop3A_248 : i32 to index
        %parallel_loop3A_285 = tpu.vector_load %arg9[%parallel_loop3A_283, %parallel_loop3A_284] {strides = array<i32>} : memref<8x2048xf32, #tpu.memory_space<vmem>>, vector<1x16xf32>,
        %parallel_loop3A_286 = vector.shape_cast %parallel_loop3A_285 : vector<1x16xf32> to vector<16xf32>
        %parallel_loop3A_287 = vector.shape_cast %parallel_loop3A_281 : vector<16xf32> to vector<1x16xf32>
        tpu.vector_store %arg9[%parallel_loop3A_283, %parallel_loop3A_284], %parallel_loop3A_287 {strides = array<i32>} : memref<8x2048xf32, #tpu.memory_space<vmem>>, vector<1x16xf32>,
        %parallel_loop3A_288 = arith.constant 11 : i32
        %parallel_loop3A_289 = arith.index_cast %parallel_loop3A_288 : i32 to index
        %parallel_loop3A_290 = arith.index_cast %parallel_loop3A_248 : i32 to index
        %parallel_loop3A_291 = tpu.vector_load %arg6[%parallel_loop3A_289, %parallel_loop3A_290] {strides = array<i32>} : memref<16x2048xf32, #tpu.memory_space<vmem>>, vector<1x16xf32>,
        %parallel_loop3A_292 = vector.shape_cast %parallel_loop3A_291 : vector<1x16xf32> to vector<16xf32>
        %parallel_loop3A_293 = vector.broadcast %squeeze3A_119 : f32 to vector<16xf32>
        %parallel_loop3A_294 = arith.mulf %parallel_loop3A_292, %parallel_loop3A_293 : vector<16xf32>
        %parallel_loop3A_295 = arith.constant 3 : i32
        %parallel_loop3A_296 = arith.index_cast %parallel_loop3A_295 : i32 to index
        %parallel_loop3A_297 = arith.index_cast %parallel_loop3A_248 : i32 to index
        %parallel_loop3A_298 = tpu.vector_load %arg9[%parallel_loop3A_296, %parallel_loop3A_297] {strides = array<i32>} : memref<8x2048xf32, #tpu.memory_space<vmem>>, vector<1x16xf32>,
        %parallel_loop3A_299 = vector.shape_cast %parallel_loop3A_298 : vector<1x16xf32> to vector<16xf32>
        %parallel_loop3A_300 = vector.shape_cast %parallel_loop3A_294 : vector<16xf32> to vector<1x16xf32>
        tpu.vector_store %arg9[%parallel_loop3A_296, %parallel_loop3A_297], %parallel_loop3A_300 {strides = array<i32>} : memref<8x2048xf32, #tpu.memory_space<vmem>>, vector<1x16xf32>,
        %parallel_loop3A_301 = arith.constant 12 : i32
        %parallel_loop3A_302 = arith.index_cast %parallel_loop3A_301 : i32 to index
        %parallel_loop3A_303 = arith.index_cast %parallel_loop3A_248 : i32 to index
        %parallel_loop3A_304 = tpu.vector_load %arg6[%parallel_loop3A_302, %parallel_loop3A_303] {strides = array<i32>} : memref<16x2048xf32, #tpu.memory_space<vmem>>, vector<1x16xf32>,
        %parallel_loop3A_305 = vector.shape_cast %parallel_loop3A_304 : vector<1x16xf32> to vector<16xf32>
        %parallel_loop3A_306 = vector.broadcast %squeeze3A_121 : f32 to vector<16xf32>
        %parallel_loop3A_307 = arith.mulf %parallel_loop3A_305, %parallel_loop3A_306 : vector<16xf32>
        %parallel_loop3A_308 = arith.constant 4 : i32
        %parallel_loop3A_309 = arith.index_cast %parallel_loop3A_308 : i32 to index
        %parallel_loop3A_310 = arith.index_cast %parallel_loop3A_248 : i32 to index
        %parallel_loop3A_311 = tpu.vector_load %arg9[%parallel_loop3A_309, %parallel_loop3A_310] {strides = array<i32>} : memref<8x2048xf32, #tpu.memory_space<vmem>>, vector<1x16xf32>,
        %parallel_loop3A_312 = vector.shape_cast %parallel_loop3A_311 : vector<1x16xf32> to vector<16xf32>
        %parallel_loop3A_313 = vector.shape_cast %parallel_loop3A_307 : vector<16xf32> to vector<1x16xf32>
        tpu.vector_store %arg9[%parallel_loop3A_309, %parallel_loop3A_310], %parallel_loop3A_313 {strides = array<i32>} : memref<8x2048xf32, #tpu.memory_space<vmem>>, vector<1x16xf32>,
        %parallel_loop3A_314 = arith.constant 13 : i32
        %parallel_loop3A_315 = arith.index_cast %parallel_loop3A_314 : i32 to index
        %parallel_loop3A_316 = arith.index_cast %parallel_loop3A_248 : i32 to index
        %parallel_loop3A_317 = tpu.vector_load %arg6[%parallel_loop3A_315, %parallel_loop3A_316] {strides = array<i32>} : memref<16x2048xf32, #tpu.memory_space<vmem>>, vector<1x16xf32>,
        %parallel_loop3A_318 = vector.shape_cast %parallel_loop3A_317 : vector<1x16xf32> to vector<16xf32>
        %parallel_loop3A_319 = vector.broadcast %squeeze3A_123 : f32 to vector<16xf32>
        %parallel_loop3A_320 = arith.mulf %parallel_loop3A_318, %parallel_loop3A_319 : vector<16xf32>
        %parallel_loop3A_321 = arith.constant 5 : i32
        %parallel_loop3A_322 = arith.index_cast %parallel_loop3A_321 : i32 to index
        %parallel_loop3A_323 = arith.index_cast %parallel_loop3A_248 : i32 to index
        %parallel_loop3A_324 = tpu.vector_load %arg9[%parallel_loop3A_322, %parallel_loop3A_323] {strides = array<i32>} : memref<8x2048xf32, #tpu.memory_space<vmem>>, vector<1x16xf32>,
        %parallel_loop3A_325 = vector.shape_cast %parallel_loop3A_324 : vector<1x16xf32> to vector<16xf32>
        %parallel_loop3A_326 = vector.shape_cast %parallel_loop3A_320 : vector<16xf32> to vector<1x16xf32>
        tpu.vector_store %arg9[%parallel_loop3A_322, %parallel_loop3A_323], %parallel_loop3A_326 {strides = array<i32>} : memref<8x2048xf32, #tpu.memory_space<vmem>>, vector<1x16xf32>,
        %parallel_loop3A_327 = arith.constant 14 : i32
        %parallel_loop3A_328 = arith.index_cast %parallel_loop3A_327 : i32 to index
        %parallel_loop3A_329 = arith.index_cast %parallel_loop3A_248 : i32 to index
        %parallel_loop3A_330 = tpu.vector_load %arg6[%parallel_loop3A_328, %parallel_loop3A_329] {strides = array<i32>} : memref<16x2048xf32, #tpu.memory_space<vmem>>, vector<1x16xf32>,
        %parallel_loop3A_331 = vector.shape_cast %parallel_loop3A_330 : vector<1x16xf32> to vector<16xf32>
        %parallel_loop3A_332 = vector.broadcast %squeeze3A_125 : f32 to vector<16xf32>
        %parallel_loop3A_333 = arith.mulf %parallel_loop3A_331, %parallel_loop3A_332 : vector<16xf32>
        %parallel_loop3A_334 = arith.constant 6 : i32
        %parallel_loop3A_335 = arith.index_cast %parallel_loop3A_334 : i32 to index
        %parallel_loop3A_336 = arith.index_cast %parallel_loop3A_248 : i32 to index
        %parallel_loop3A_337 = tpu.vector_load %arg9[%parallel_loop3A_335, %parallel_loop3A_336] {strides = array<i32>} : memref<8x2048xf32, #tpu.memory_space<vmem>>, vector<1x16xf32>,
        %parallel_loop3A_338 = vector.shape_cast %parallel_loop3A_337 : vector<1x16xf32> to vector<16xf32>
        %parallel_loop3A_339 = vector.shape_cast %parallel_loop3A_333 : vector<16xf32> to vector<1x16xf32>
        tpu.vector_store %arg9[%parallel_loop3A_335, %parallel_loop3A_336], %parallel_loop3A_339 {strides = array<i32>} : memref<8x2048xf32, #tpu.memory_space<vmem>>, vector<1x16xf32>,
        %parallel_loop3A_340 = arith.constant 15 : i32
        %parallel_loop3A_341 = arith.index_cast %parallel_loop3A_340 : i32 to index
        %parallel_loop3A_342 = arith.index_cast %parallel_loop3A_248 : i32 to index
        %parallel_loop3A_343 = tpu.vector_load %arg6[%parallel_loop3A_341, %parallel_loop3A_342] {strides = array<i32>} : memref<16x2048xf32, #tpu.memory_space<vmem>>, vector<1x16xf32>,
        %parallel_loop3A_344 = vector.shape_cast %parallel_loop3A_343 : vector<1x16xf32> to vector<16xf32>
        %parallel_loop3A_345 = vector.broadcast %squeeze3A_127 : f32 to vector<16xf32>
        %parallel_loop3A_346 = arith.mulf %parallel_loop3A_344, %parallel_loop3A_345 : vector<16xf32>
        %parallel_loop3A_347 = arith.constant 7 : i32
        %parallel_loop3A_348 = arith.index_cast %parallel_loop3A_347 : i32 to index
        %parallel_loop3A_349 = arith.index_cast %parallel_loop3A_248 : i32 to index
        %parallel_loop3A_350 = tpu.vector_load %arg9[%parallel_loop3A_348, %parallel_loop3A_349] {strides = array<i32>} : memref<8x2048xf32, #tpu.memory_space<vmem>>, vector<1x16xf32>,
        %parallel_loop3A_351 = vector.shape_cast %parallel_loop3A_350 : vector<1x16xf32> to vector<16xf32>
        %parallel_loop3A_352 = vector.shape_cast %parallel_loop3A_346 : vector<16xf32> to vector<1x16xf32>
        tpu.vector_store %arg9[%parallel_loop3A_348, %parallel_loop3A_349], %parallel_loop3A_352 {strides = array<i32>} : memref<8x2048xf32, #tpu.memory_space<vmem>>, vector<1x16xf32>,
      } {sc.loop_unroll_factor = 2 : i64, sc.parallel_access}
      %mul3A_131 = arith.constant 16 : i32
      %mul3A_132 = arith.muli %add3A_57, %mul3A_131 : i32
      %add3A_133 = arith.addi %mul3A_2, %mul3A_132 : i32
      %add3A_134 = arith.constant 8 : i32
      %add3A_135 = arith.addi %add3A_133, %add3A_134 : i32
      %dma_start3A_136 = arith.constant 1 : i32
      %dma_start3A_137 = arith.constant 0 : i32
      %dma_start3A_138 = tpu.memref_slice %arg5[%add3A_135, %dma_start3A_137] : memref<32768x2048xf32, #tpu.memory_space<hbm>> -> memref<8x2048xf32, #tpu.memory_space<hbm>>
      %dma_start3A_139 = tpu.memref_slice %arg13[%dma_start3A_136] : memref<2x!tpu.dma_semaphore, #tpu.memory_space<semaphore_mem>> -> memref<1x!tpu.dma_semaphore, #tpu.memory_space<semaphore_mem>>
      %dma_start3A_140 = tpu.memref_squeeze %dma_start3A_139 : memref<1x!tpu.dma_semaphore, #tpu.memory_space<semaphore_mem>> -> memref<!tpu.dma_semaphore, #tpu.memory_space<semaphore_mem>>
      %dma_start3A_141 = arith.constant 0 : i32
      %dma_start3A_142 = tpu.memref_slice %arg5[%add3A_135, %dma_start3A_141] : memref<32768x2048xf32, #tpu.memory_space<hbm>> -> memref<8x2048xf32, #tpu.memory_space<hbm>>
      tpu.enqueue_dma source(%arg9 : memref<8x2048xf32, #tpu.memory_space<vmem>>) target(%dma_start3A_142 : memref<8x2048xf32, #tpu.memory_space<hbm>>) target_semaphore(%dma_start3A_140 : memref<!tpu.dma_semaphore, #tpu.memory_space<semaphore_mem>>)
      %lt3A = arith.constant 31 : i32
      %lt3A_143 = arith.cmpi slt, %add3A_53, %lt3A : i32
      %convert_element_type3A_144 = arith.extui %lt3A_143 : i1 to i32
      %cond3A_145 = arith.constant 0 : i32
      %cond3A_146 = arith.cmpi ne, %convert_element_type3A_144, %cond3A_145 : i32
      scf.if %cond3A_146 {
        %add3A_248 = arith.constant 2 : i32
        %add3A_249 = arith.addi %add3A_57, %add3A_248 : i32
        %mul3A_250 = arith.constant 16 : i32
        %mul3A_251 = arith.muli %add3A_249, %mul3A_250 : i32
        %add3A_252 = arith.addi %mul3A_2, %mul3A_251 : i32
        %dma_start3A_253 = arith.constant 0 : i32
        %dma_start3A_254 = arith.constant 0 : i32
        %dma_start3A_255 = tpu.memref_slice %arg2[%add3A_252, %dma_start3A_254] : memref<32768x2048xf32, #tpu.memory_space<hbm>> -> memref<16x2048xf32, #tpu.memory_space<hbm>>
        %dma_start3A_256 = tpu.memref_slice %arg12[%dma_start3A_253] : memref<2x!tpu.dma_semaphore, #tpu.memory_space<semaphore_mem>> -> memref<1x!tpu.dma_semaphore, #tpu.memory_space<semaphore_mem>>
        %dma_start3A_257 = tpu.memref_squeeze %dma_start3A_256 : memref<1x!tpu.dma_semaphore, #tpu.memory_space<semaphore_mem>> -> memref<!tpu.dma_semaphore, #tpu.memory_space<semaphore_mem>>
        %dma_start3A_258 = arith.constant 0 : i32
        %dma_start3A_259 = tpu.memref_slice %arg2[%add3A_252, %dma_start3A_258] : memref<32768x2048xf32, #tpu.memory_space<hbm>> -> memref<16x2048xf32, #tpu.memory_space<hbm>>
        tpu.enqueue_dma source(%dma_start3A_259 : memref<16x2048xf32, #tpu.memory_space<hbm>>) target(%arg6 : memref<16x2048xf32, #tpu.memory_space<vmem>>) target_semaphore(%dma_start3A_257 : memref<!tpu.dma_semaphore, #tpu.memory_space<semaphore_mem>>)
      } else {
      }
      %mul3A_147 = arith.constant 2 : i32
      %mul3A_148 = arith.muli %mul3A_147, %add3A_53 : i32
      %add3A_149 = arith.constant 1 : i32
      %add3A_150 = arith.addi %mul3A_148, %add3A_149 : i32
      %dma_wait3A_151 = arith.constant 1 : i32
      %dma_wait3A_152 = arith.constant 0 : i32
      %dma_wait3A_153 = arith.constant 0 : i32
      %dma_wait3A_154 = tpu.memref_slice %arg2[%dma_wait3A_152, %dma_wait3A_153] : memref<32768x2048xf32, #tpu.memory_space<hbm>> -> memref<16x2048xf32, #tpu.memory_space<hbm>>
      %dma_wait3A_155 = tpu.memref_slice %arg12[%dma_wait3A_151] : memref<2x!tpu.dma_semaphore, #tpu.memory_space<semaphore_mem>> -> memref<1x!tpu.dma_semaphore, #tpu.memory_space<semaphore_mem>>
      %dma_wait3A_156 = tpu.memref_squeeze %dma_wait3A_155 : memref<1x!tpu.dma_semaphore, #tpu.memory_space<semaphore_mem>> -> memref<!tpu.dma_semaphore, #tpu.memory_space<semaphore_mem>>
      %dma_wait3A_157 = arith.constant 0 : i32
      %dma_wait3A_158 = arith.constant 0 : i32
      %dma_wait3A_159 = tpu.memref_slice %arg2[%dma_wait3A_157, %dma_wait3A_158] : memref<32768x2048xf32, #tpu.memory_space<hbm>> -> memref<16x2048xf32, #tpu.memory_space<hbm>>
      tpu.wait_dma2 semaphore(%dma_wait3A_156 : memref<!tpu.dma_semaphore, #tpu.memory_space<semaphore_mem>>) src(%dma_wait3A_159 : memref<16x2048xf32, #tpu.memory_space<hbm>>) dst(%arg7 : memref<16x2048xf32, #tpu.memory_space<vmem>>)
      %mul3A_160 = arith.constant 16 : i32
      %mul3A_161 = arith.muli %add3A_150, %mul3A_160 : i32
      %get3A_162 = arith.index_cast %mul3A_161 : i32 to index
      %get3A_163 = tpu.vector_load %arg10[%get3A_162] {strides = array<i32>} : memref<1024xf32, #tpu.memory_space<vmem>>, vector<16xf32>,
      %get3A_164 = vector.shape_cast %get3A_163 : vector<16xf32> to vector<16xf32>
      %mul3A_165 = arith.constant 16 : i32
      %mul3A_166 = arith.muli %add3A_150, %mul3A_165 : i32
      %get3A_167 = arith.index_cast %mul3A_166 : i32 to index
      %get3A_168 = tpu.vector_load %arg11[%get3A_167] {strides = array<i32>} : memref<1024xf32, #tpu.memory_space<vmem>>, vector<16xf32>,
      %get3A_169 = vector.shape_cast %get3A_168 : vector<16xf32> to vector<16xf32>
      %add3A_170 = arith.addf %get3A_164, %get3A_169 : vector<16xf32>
      %ge3A_171 = arith.constant 1 : i32
      %ge3A_172 = arith.cmpi sge, %add3A_150, %ge3A_171 : i32
      %convert_element_type3A_173 = arith.extui %ge3A_172 : i1 to i32
      %cond3A_174 = arith.constant 0 : i32
      %cond3A_175 = arith.cmpi ne, %convert_element_type3A_173, %cond3A_174 : i32
      scf.if %cond3A_175 {
        %dma_wait3A_248 = arith.constant 0 : i32
        %dma_wait3A_249 = arith.constant 0 : i32
        %dma_wait3A_250 = arith.constant 0 : i32
        %dma_wait3A_251 = tpu.memref_slice %arg5[%dma_wait3A_249, %dma_wait3A_250] : memref<32768x2048xf32, #tpu.memory_space<hbm>> -> memref<8x2048xf32, #tpu.memory_space<hbm>>
        %dma_wait3A_252 = tpu.memref_slice %arg13[%dma_wait3A_248] : memref<2x!tpu.dma_semaphore, #tpu.memory_space<semaphore_mem>> -> memref<1x!tpu.dma_semaphore, #tpu.memory_space<semaphore_mem>>
        %dma_wait3A_253 = tpu.memref_squeeze %dma_wait3A_252 : memref<1x!tpu.dma_semaphore, #tpu.memory_space<semaphore_mem>> -> memref<!tpu.dma_semaphore, #tpu.memory_space<semaphore_mem>>
        %dma_wait3A_254 = arith.constant 0 : i32
        %dma_wait3A_255 = arith.constant 0 : i32
        %dma_wait3A_256 = tpu.memref_slice %arg5[%dma_wait3A_254, %dma_wait3A_255] : memref<32768x2048xf32, #tpu.memory_space<hbm>> -> memref<8x2048xf32, #tpu.memory_space<hbm>>
        tpu.wait_dma2 semaphore(%dma_wait3A_253 : memref<!tpu.dma_semaphore, #tpu.memory_space<semaphore_mem>>) src(%arg8 : memref<8x2048xf32, #tpu.memory_space<vmem>>) dst(%dma_wait3A_256 : memref<8x2048xf32, #tpu.memory_space<hbm>>)
      } else {
      }
      %slice3A_176 = vector.extract_strided_slice %add3A_170 {offsets = [0], sizes = [1], strides = [1]} : vector<16xf32> to vector<1xf32>
      %squeeze3A_177 = vector.extract %slice3A_176[0] : f32 from vector<1xf32>
      %slice3A_178 = vector.extract_strided_slice %add3A_170 {offsets = [1], sizes = [1], strides = [1]} : vector<16xf32> to vector<1xf32>
      %squeeze3A_179 = vector.extract %slice3A_178[0] : f32 from vector<1xf32>
      %slice3A_180 = vector.extract_strided_slice %add3A_170 {offsets = [2], sizes = [1], strides = [1]} : vector<16xf32> to vector<1xf32>
      %squeeze3A_181 = vector.extract %slice3A_180[0] : f32 from vector<1xf32>
      %slice3A_182 = vector.extract_strided_slice %add3A_170 {offsets = [3], sizes = [1], strides = [1]} : vector<16xf32> to vector<1xf32>
      %squeeze3A_183 = vector.extract %slice3A_182[0] : f32 from vector<1xf32>
      %slice3A_184 = vector.extract_strided_slice %add3A_170 {offsets = [4], sizes = [1], strides = [1]} : vector<16xf32> to vector<1xf32>
      %squeeze3A_185 = vector.extract %slice3A_184[0] : f32 from vector<1xf32>
      %slice3A_186 = vector.extract_strided_slice %add3A_170 {offsets = [5], sizes = [1], strides = [1]} : vector<16xf32> to vector<1xf32>
      %squeeze3A_187 = vector.extract %slice3A_186[0] : f32 from vector<1xf32>
      %slice3A_188 = vector.extract_strided_slice %add3A_170 {offsets = [6], sizes = [1], strides = [1]} : vector<16xf32> to vector<1xf32>
      %squeeze3A_189 = vector.extract %slice3A_188[0] : f32 from vector<1xf32>
      %slice3A_190 = vector.extract_strided_slice %add3A_170 {offsets = [7], sizes = [1], strides = [1]} : vector<16xf32> to vector<1xf32>
      %squeeze3A_191 = vector.extract %slice3A_190[0] : f32 from vector<1xf32>
      %parallel_loop3A_192 = arith.constant 0 : i32
      %parallel_loop3A_193 = arith.constant 2048 : i32
      %parallel_loop3A_194 = arith.constant 16 : i32
      scf.for %parallel_loop3A_248 = %parallel_loop3A_192 to %parallel_loop3A_193 step %parallel_loop3A_194  : i32 {
        %parallel_loop3A_249 = arith.constant 0 : i32
        %parallel_loop3A_250 = arith.index_cast %parallel_loop3A_249 : i32 to index
        %parallel_loop3A_251 = arith.index_cast %parallel_loop3A_248 : i32 to index
        %parallel_loop3A_252 = tpu.vector_load %arg7[%parallel_loop3A_250, %parallel_loop3A_251] {strides = array<i32>} : memref<16x2048xf32, #tpu.memory_space<vmem>>, vector<1x16xf32>,
        %parallel_loop3A_253 = vector.shape_cast %parallel_loop3A_252 : vector<1x16xf32> to vector<16xf32>
        %parallel_loop3A_254 = vector.broadcast %squeeze3A_177 : f32 to vector<16xf32>
        %parallel_loop3A_255 = arith.mulf %parallel_loop3A_253, %parallel_loop3A_254 : vector<16xf32>
        %parallel_loop3A_256 = arith.constant 0 : i32
        %parallel_loop3A_257 = arith.index_cast %parallel_loop3A_256 : i32 to index
        %parallel_loop3A_258 = arith.index_cast %parallel_loop3A_248 : i32 to index
        %parallel_loop3A_259 = tpu.vector_load %arg8[%parallel_loop3A_257, %parallel_loop3A_258] {strides = array<i32>} : memref<8x2048xf32, #tpu.memory_space<vmem>>, vector<1x16xf32>,
        %parallel_loop3A_260 = vector.shape_cast %parallel_loop3A_259 : vector<1x16xf32> to vector<16xf32>
        %parallel_loop3A_261 = vector.shape_cast %parallel_loop3A_255 : vector<16xf32> to vector<1x16xf32>
        tpu.vector_store %arg8[%parallel_loop3A_257, %parallel_loop3A_258], %parallel_loop3A_261 {strides = array<i32>} : memref<8x2048xf32, #tpu.memory_space<vmem>>, vector<1x16xf32>,
        %parallel_loop3A_262 = arith.constant 1 : i32
        %parallel_loop3A_263 = arith.index_cast %parallel_loop3A_262 : i32 to index
        %parallel_loop3A_264 = arith.index_cast %parallel_loop3A_248 : i32 to index
        %parallel_loop3A_265 = tpu.vector_load %arg7[%parallel_loop3A_263, %parallel_loop3A_264] {strides = array<i32>} : memref<16x2048xf32, #tpu.memory_space<vmem>>, vector<1x16xf32>,
        %parallel_loop3A_266 = vector.shape_cast %parallel_loop3A_265 : vector<1x16xf32> to vector<16xf32>
        %parallel_loop3A_267 = vector.broadcast %squeeze3A_179 : f32 to vector<16xf32>
        %parallel_loop3A_268 = arith.mulf %parallel_loop3A_266, %parallel_loop3A_267 : vector<16xf32>
        %parallel_loop3A_269 = arith.constant 1 : i32
        %parallel_loop3A_270 = arith.index_cast %parallel_loop3A_269 : i32 to index
        %parallel_loop3A_271 = arith.index_cast %parallel_loop3A_248 : i32 to index
        %parallel_loop3A_272 = tpu.vector_load %arg8[%parallel_loop3A_270, %parallel_loop3A_271] {strides = array<i32>} : memref<8x2048xf32, #tpu.memory_space<vmem>>, vector<1x16xf32>,
        %parallel_loop3A_273 = vector.shape_cast %parallel_loop3A_272 : vector<1x16xf32> to vector<16xf32>
        %parallel_loop3A_274 = vector.shape_cast %parallel_loop3A_268 : vector<16xf32> to vector<1x16xf32>
        tpu.vector_store %arg8[%parallel_loop3A_270, %parallel_loop3A_271], %parallel_loop3A_274 {strides = array<i32>} : memref<8x2048xf32, #tpu.memory_space<vmem>>, vector<1x16xf32>,
        %parallel_loop3A_275 = arith.constant 2 : i32
        %parallel_loop3A_276 = arith.index_cast %parallel_loop3A_275 : i32 to index
        %parallel_loop3A_277 = arith.index_cast %parallel_loop3A_248 : i32 to index
        %parallel_loop3A_278 = tpu.vector_load %arg7[%parallel_loop3A_276, %parallel_loop3A_277] {strides = array<i32>} : memref<16x2048xf32, #tpu.memory_space<vmem>>, vector<1x16xf32>,
        %parallel_loop3A_279 = vector.shape_cast %parallel_loop3A_278 : vector<1x16xf32> to vector<16xf32>
        %parallel_loop3A_280 = vector.broadcast %squeeze3A_181 : f32 to vector<16xf32>
        %parallel_loop3A_281 = arith.mulf %parallel_loop3A_279, %parallel_loop3A_280 : vector<16xf32>
        %parallel_loop3A_282 = arith.constant 2 : i32
        %parallel_loop3A_283 = arith.index_cast %parallel_loop3A_282 : i32 to index
        %parallel_loop3A_284 = arith.index_cast %parallel_loop3A_248 : i32 to index
        %parallel_loop3A_285 = tpu.vector_load %arg8[%parallel_loop3A_283, %parallel_loop3A_284] {strides = array<i32>} : memref<8x2048xf32, #tpu.memory_space<vmem>>, vector<1x16xf32>,
        %parallel_loop3A_286 = vector.shape_cast %parallel_loop3A_285 : vector<1x16xf32> to vector<16xf32>
        %parallel_loop3A_287 = vector.shape_cast %parallel_loop3A_281 : vector<16xf32> to vector<1x16xf32>
        tpu.vector_store %arg8[%parallel_loop3A_283, %parallel_loop3A_284], %parallel_loop3A_287 {strides = array<i32>} : memref<8x2048xf32, #tpu.memory_space<vmem>>, vector<1x16xf32>,
        %parallel_loop3A_288 = arith.constant 3 : i32
        %parallel_loop3A_289 = arith.index_cast %parallel_loop3A_288 : i32 to index
        %parallel_loop3A_290 = arith.index_cast %parallel_loop3A_248 : i32 to index
        %parallel_loop3A_291 = tpu.vector_load %arg7[%parallel_loop3A_289, %parallel_loop3A_290] {strides = array<i32>} : memref<16x2048xf32, #tpu.memory_space<vmem>>, vector<1x16xf32>,
        %parallel_loop3A_292 = vector.shape_cast %parallel_loop3A_291 : vector<1x16xf32> to vector<16xf32>
        %parallel_loop3A_293 = vector.broadcast %squeeze3A_183 : f32 to vector<16xf32>
        %parallel_loop3A_294 = arith.mulf %parallel_loop3A_292, %parallel_loop3A_293 : vector<16xf32>
        %parallel_loop3A_295 = arith.constant 3 : i32
        %parallel_loop3A_296 = arith.index_cast %parallel_loop3A_295 : i32 to index
        %parallel_loop3A_297 = arith.index_cast %parallel_loop3A_248 : i32 to index
        %parallel_loop3A_298 = tpu.vector_load %arg8[%parallel_loop3A_296, %parallel_loop3A_297] {strides = array<i32>} : memref<8x2048xf32, #tpu.memory_space<vmem>>, vector<1x16xf32>,
        %parallel_loop3A_299 = vector.shape_cast %parallel_loop3A_298 : vector<1x16xf32> to vector<16xf32>
        %parallel_loop3A_300 = vector.shape_cast %parallel_loop3A_294 : vector<16xf32> to vector<1x16xf32>
        tpu.vector_store %arg8[%parallel_loop3A_296, %parallel_loop3A_297], %parallel_loop3A_300 {strides = array<i32>} : memref<8x2048xf32, #tpu.memory_space<vmem>>, vector<1x16xf32>,
        %parallel_loop3A_301 = arith.constant 4 : i32
        %parallel_loop3A_302 = arith.index_cast %parallel_loop3A_301 : i32 to index
        %parallel_loop3A_303 = arith.index_cast %parallel_loop3A_248 : i32 to index
        %parallel_loop3A_304 = tpu.vector_load %arg7[%parallel_loop3A_302, %parallel_loop3A_303] {strides = array<i32>} : memref<16x2048xf32, #tpu.memory_space<vmem>>, vector<1x16xf32>,
        %parallel_loop3A_305 = vector.shape_cast %parallel_loop3A_304 : vector<1x16xf32> to vector<16xf32>
        %parallel_loop3A_306 = vector.broadcast %squeeze3A_185 : f32 to vector<16xf32>
        %parallel_loop3A_307 = arith.mulf %parallel_loop3A_305, %parallel_loop3A_306 : vector<16xf32>
        %parallel_loop3A_308 = arith.constant 4 : i32
        %parallel_loop3A_309 = arith.index_cast %parallel_loop3A_308 : i32 to index
        %parallel_loop3A_310 = arith.index_cast %parallel_loop3A_248 : i32 to index
        %parallel_loop3A_311 = tpu.vector_load %arg8[%parallel_loop3A_309, %parallel_loop3A_310] {strides = array<i32>} : memref<8x2048xf32, #tpu.memory_space<vmem>>, vector<1x16xf32>,
        %parallel_loop3A_312 = vector.shape_cast %parallel_loop3A_311 : vector<1x16xf32> to vector<16xf32>
        %parallel_loop3A_313 = vector.shape_cast %parallel_loop3A_307 : vector<16xf32> to vector<1x16xf32>
        tpu.vector_store %arg8[%parallel_loop3A_309, %parallel_loop3A_310], %parallel_loop3A_313 {strides = array<i32>} : memref<8x2048xf32, #tpu.memory_space<vmem>>, vector<1x16xf32>,
        %parallel_loop3A_314 = arith.constant 5 : i32
        %parallel_loop3A_315 = arith.index_cast %parallel_loop3A_314 : i32 to index
        %parallel_loop3A_316 = arith.index_cast %parallel_loop3A_248 : i32 to index
        %parallel_loop3A_317 = tpu.vector_load %arg7[%parallel_loop3A_315, %parallel_loop3A_316] {strides = array<i32>} : memref<16x2048xf32, #tpu.memory_space<vmem>>, vector<1x16xf32>,
        %parallel_loop3A_318 = vector.shape_cast %parallel_loop3A_317 : vector<1x16xf32> to vector<16xf32>
        %parallel_loop3A_319 = vector.broadcast %squeeze3A_187 : f32 to vector<16xf32>
        %parallel_loop3A_320 = arith.mulf %parallel_loop3A_318, %parallel_loop3A_319 : vector<16xf32>
        %parallel_loop3A_321 = arith.constant 5 : i32
        %parallel_loop3A_322 = arith.index_cast %parallel_loop3A_321 : i32 to index
        %parallel_loop3A_323 = arith.index_cast %parallel_loop3A_248 : i32 to index
        %parallel_loop3A_324 = tpu.vector_load %arg8[%parallel_loop3A_322, %parallel_loop3A_323] {strides = array<i32>} : memref<8x2048xf32, #tpu.memory_space<vmem>>, vector<1x16xf32>,
        %parallel_loop3A_325 = vector.shape_cast %parallel_loop3A_324 : vector<1x16xf32> to vector<16xf32>
        %parallel_loop3A_326 = vector.shape_cast %parallel_loop3A_320 : vector<16xf32> to vector<1x16xf32>
        tpu.vector_store %arg8[%parallel_loop3A_322, %parallel_loop3A_323], %parallel_loop3A_326 {strides = array<i32>} : memref<8x2048xf32, #tpu.memory_space<vmem>>, vector<1x16xf32>,
        %parallel_loop3A_327 = arith.constant 6 : i32
        %parallel_loop3A_328 = arith.index_cast %parallel_loop3A_327 : i32 to index
        %parallel_loop3A_329 = arith.index_cast %parallel_loop3A_248 : i32 to index
        %parallel_loop3A_330 = tpu.vector_load %arg7[%parallel_loop3A_328, %parallel_loop3A_329] {strides = array<i32>} : memref<16x2048xf32, #tpu.memory_space<vmem>>, vector<1x16xf32>,
        %parallel_loop3A_331 = vector.shape_cast %parallel_loop3A_330 : vector<1x16xf32> to vector<16xf32>
        %parallel_loop3A_332 = vector.broadcast %squeeze3A_189 : f32 to vector<16xf32>
        %parallel_loop3A_333 = arith.mulf %parallel_loop3A_331, %parallel_loop3A_332 : vector<16xf32>
        %parallel_loop3A_334 = arith.constant 6 : i32
        %parallel_loop3A_335 = arith.index_cast %parallel_loop3A_334 : i32 to index
        %parallel_loop3A_336 = arith.index_cast %parallel_loop3A_248 : i32 to index
        %parallel_loop3A_337 = tpu.vector_load %arg8[%parallel_loop3A_335, %parallel_loop3A_336] {strides = array<i32>} : memref<8x2048xf32, #tpu.memory_space<vmem>>, vector<1x16xf32>,
        %parallel_loop3A_338 = vector.shape_cast %parallel_loop3A_337 : vector<1x16xf32> to vector<16xf32>
        %parallel_loop3A_339 = vector.shape_cast %parallel_loop3A_333 : vector<16xf32> to vector<1x16xf32>
        tpu.vector_store %arg8[%parallel_loop3A_335, %parallel_loop3A_336], %parallel_loop3A_339 {strides = array<i32>} : memref<8x2048xf32, #tpu.memory_space<vmem>>, vector<1x16xf32>,
        %parallel_loop3A_340 = arith.constant 7 : i32
        %parallel_loop3A_341 = arith.index_cast %parallel_loop3A_340 : i32 to index
        %parallel_loop3A_342 = arith.index_cast %parallel_loop3A_248 : i32 to index
        %parallel_loop3A_343 = tpu.vector_load %arg7[%parallel_loop3A_341, %parallel_loop3A_342] {strides = array<i32>} : memref<16x2048xf32, #tpu.memory_space<vmem>>, vector<1x16xf32>,
        %parallel_loop3A_344 = vector.shape_cast %parallel_loop3A_343 : vector<1x16xf32> to vector<16xf32>
        %parallel_loop3A_345 = vector.broadcast %squeeze3A_191 : f32 to vector<16xf32>
        %parallel_loop3A_346 = arith.mulf %parallel_loop3A_344, %parallel_loop3A_345 : vector<16xf32>
        %parallel_loop3A_347 = arith.constant 7 : i32
        %parallel_loop3A_348 = arith.index_cast %parallel_loop3A_347 : i32 to index
        %parallel_loop3A_349 = arith.index_cast %parallel_loop3A_248 : i32 to index
        %parallel_loop3A_350 = tpu.vector_load %arg8[%parallel_loop3A_348, %parallel_loop3A_349] {strides = array<i32>} : memref<8x2048xf32, #tpu.memory_space<vmem>>, vector<1x16xf32>,
        %parallel_loop3A_351 = vector.shape_cast %parallel_loop3A_350 : vector<1x16xf32> to vector<16xf32>
        %parallel_loop3A_352 = vector.shape_cast %parallel_loop3A_346 : vector<16xf32> to vector<1x16xf32>
        tpu.vector_store %arg8[%parallel_loop3A_348, %parallel_loop3A_349], %parallel_loop3A_352 {strides = array<i32>} : memref<8x2048xf32, #tpu.memory_space<vmem>>, vector<1x16xf32>,
      } {sc.loop_unroll_factor = 2 : i64, sc.parallel_access}
      %mul3A_195 = arith.constant 16 : i32
      %mul3A_196 = arith.muli %add3A_150, %mul3A_195 : i32
      %add3A_197 = arith.addi %mul3A_2, %mul3A_196 : i32
      %add3A_198 = arith.constant 0 : i32
      %add3A_199 = arith.addi %add3A_197, %add3A_198 : i32
      %dma_start3A_200 = arith.constant 0 : i32
      %dma_start3A_201 = arith.constant 0 : i32
      %dma_start3A_202 = tpu.memref_slice %arg5[%add3A_199, %dma_start3A_201] : memref<32768x2048xf32, #tpu.memory_space<hbm>> -> memref<8x2048xf32, #tpu.memory_space<hbm>>
      %dma_start3A_203 = tpu.memref_slice %arg13[%dma_start3A_200] : memref<2x!tpu.dma_semaphore, #tpu.memory_space<semaphore_mem>> -> memref<1x!tpu.dma_semaphore, #tpu.memory_space<semaphore_mem>>
      %dma_start3A_204 = tpu.memref_squeeze %dma_start3A_203 : memref<1x!tpu.dma_semaphore, #tpu.memory_space<semaphore_mem>> -> memref<!tpu.dma_semaphore, #tpu.memory_space<semaphore_mem>>
      %dma_start3A_205 = arith.constant 0 : i32
      %dma_start3A_206 = tpu.memref_slice %arg5[%add3A_199, %dma_start3A_205] : memref<32768x2048xf32, #tpu.memory_space<hbm>> -> memref<8x2048xf32, #tpu.memory_space<hbm>>
      tpu.enqueue_dma source(%arg8 : memref<8x2048xf32, #tpu.memory_space<vmem>>) target(%dma_start3A_206 : memref<8x2048xf32, #tpu.memory_space<hbm>>) target_semaphore(%dma_start3A_204 : memref<!tpu.dma_semaphore, #tpu.memory_space<semaphore_mem>>)
      %ge3A_207 = arith.constant 1 : i32
      %ge3A_208 = arith.cmpi sge, %add3A_150, %ge3A_207 : i32
      %convert_element_type3A_209 = arith.extui %ge3A_208 : i1 to i32
      %cond3A_210 = arith.constant 0 : i32
      %cond3A_211 = arith.cmpi ne, %convert_element_type3A_209, %cond3A_210 : i32
      scf.if %cond3A_211 {
        %dma_wait3A_248 = arith.constant 1 : i32
        %dma_wait3A_249 = arith.constant 0 : i32
        %dma_wait3A_250 = arith.constant 0 : i32
        %dma_wait3A_251 = tpu.memref_slice %arg5[%dma_wait3A_249, %dma_wait3A_250] : memref<32768x2048xf32, #tpu.memory_space<hbm>> -> memref<8x2048xf32, #tpu.memory_space<hbm>>
        %dma_wait3A_252 = tpu.memref_slice %arg13[%dma_wait3A_248] : memref<2x!tpu.dma_semaphore, #tpu.memory_space<semaphore_mem>> -> memref<1x!tpu.dma_semaphore, #tpu.memory_space<semaphore_mem>>
        %dma_wait3A_253 = tpu.memref_squeeze %dma_wait3A_252 : memref<1x!tpu.dma_semaphore, #tpu.memory_space<semaphore_mem>> -> memref<!tpu.dma_semaphore, #tpu.memory_space<semaphore_mem>>
        %dma_wait3A_254 = arith.constant 0 : i32
        %dma_wait3A_255 = arith.constant 0 : i32
        %dma_wait3A_256 = tpu.memref_slice %arg5[%dma_wait3A_254, %dma_wait3A_255] : memref<32768x2048xf32, #tpu.memory_space<hbm>> -> memref<8x2048xf32, #tpu.memory_space<hbm>>
        tpu.wait_dma2 semaphore(%dma_wait3A_253 : memref<!tpu.dma_semaphore, #tpu.memory_space<semaphore_mem>>) src(%arg9 : memref<8x2048xf32, #tpu.memory_space<vmem>>) dst(%dma_wait3A_256 : memref<8x2048xf32, #tpu.memory_space<hbm>>)
      } else {
      }
      %slice3A_212 = vector.extract_strided_slice %add3A_170 {offsets = [8], sizes = [1], strides = [1]} : vector<16xf32> to vector<1xf32>
      %squeeze3A_213 = vector.extract %slice3A_212[0] : f32 from vector<1xf32>
      %slice3A_214 = vector.extract_strided_slice %add3A_170 {offsets = [9], sizes = [1], strides = [1]} : vector<16xf32> to vector<1xf32>
      %squeeze3A_215 = vector.extract %slice3A_214[0] : f32 from vector<1xf32>
      %slice3A_216 = vector.extract_strided_slice %add3A_170 {offsets = [10], sizes = [1], strides = [1]} : vector<16xf32> to vector<1xf32>
      %squeeze3A_217 = vector.extract %slice3A_216[0] : f32 from vector<1xf32>
      %slice3A_218 = vector.extract_strided_slice %add3A_170 {offsets = [11], sizes = [1], strides = [1]} : vector<16xf32> to vector<1xf32>
      %squeeze3A_219 = vector.extract %slice3A_218[0] : f32 from vector<1xf32>
      %slice3A_220 = vector.extract_strided_slice %add3A_170 {offsets = [12], sizes = [1], strides = [1]} : vector<16xf32> to vector<1xf32>
      %squeeze3A_221 = vector.extract %slice3A_220[0] : f32 from vector<1xf32>
      %slice3A_222 = vector.extract_strided_slice %add3A_170 {offsets = [13], sizes = [1], strides = [1]} : vector<16xf32> to vector<1xf32>
      %squeeze3A_223 = vector.extract %slice3A_222[0] : f32 from vector<1xf32>
      %slice3A_224 = vector.extract_strided_slice %add3A_170 {offsets = [14], sizes = [1], strides = [1]} : vector<16xf32> to vector<1xf32>
      %squeeze3A_225 = vector.extract %slice3A_224[0] : f32 from vector<1xf32>
      %slice3A_226 = vector.extract_strided_slice %add3A_170 {offsets = [15], sizes = [1], strides = [1]} : vector<16xf32> to vector<1xf32>
      %squeeze3A_227 = vector.extract %slice3A_226[0] : f32 from vector<1xf32>
      %parallel_loop3A_228 = arith.constant 0 : i32
      %parallel_loop3A_229 = arith.constant 2048 : i32
      %parallel_loop3A_230 = arith.constant 16 : i32
      scf.for %parallel_loop3A_248 = %parallel_loop3A_228 to %parallel_loop3A_229 step %parallel_loop3A_230  : i32 {
        %parallel_loop3A_249 = arith.constant 8 : i32
        %parallel_loop3A_250 = arith.index_cast %parallel_loop3A_249 : i32 to index
        %parallel_loop3A_251 = arith.index_cast %parallel_loop3A_248 : i32 to index
        %parallel_loop3A_252 = tpu.vector_load %arg7[%parallel_loop3A_250, %parallel_loop3A_251] {strides = array<i32>} : memref<16x2048xf32, #tpu.memory_space<vmem>>, vector<1x16xf32>,
        %parallel_loop3A_253 = vector.shape_cast %parallel_loop3A_252 : vector<1x16xf32> to vector<16xf32>
        %parallel_loop3A_254 = vector.broadcast %squeeze3A_213 : f32 to vector<16xf32>
        %parallel_loop3A_255 = arith.mulf %parallel_loop3A_253, %parallel_loop3A_254 : vector<16xf32>
        %parallel_loop3A_256 = arith.constant 0 : i32
        %parallel_loop3A_257 = arith.index_cast %parallel_loop3A_256 : i32 to index
        %parallel_loop3A_258 = arith.index_cast %parallel_loop3A_248 : i32 to index
        %parallel_loop3A_259 = tpu.vector_load %arg9[%parallel_loop3A_257, %parallel_loop3A_258] {strides = array<i32>} : memref<8x2048xf32, #tpu.memory_space<vmem>>, vector<1x16xf32>,
        %parallel_loop3A_260 = vector.shape_cast %parallel_loop3A_259 : vector<1x16xf32> to vector<16xf32>
        %parallel_loop3A_261 = vector.shape_cast %parallel_loop3A_255 : vector<16xf32> to vector<1x16xf32>
        tpu.vector_store %arg9[%parallel_loop3A_257, %parallel_loop3A_258], %parallel_loop3A_261 {strides = array<i32>} : memref<8x2048xf32, #tpu.memory_space<vmem>>, vector<1x16xf32>,
        %parallel_loop3A_262 = arith.constant 9 : i32
        %parallel_loop3A_263 = arith.index_cast %parallel_loop3A_262 : i32 to index
        %parallel_loop3A_264 = arith.index_cast %parallel_loop3A_248 : i32 to index
        %parallel_loop3A_265 = tpu.vector_load %arg7[%parallel_loop3A_263, %parallel_loop3A_264] {strides = array<i32>} : memref<16x2048xf32, #tpu.memory_space<vmem>>, vector<1x16xf32>,
        %parallel_loop3A_266 = vector.shape_cast %parallel_loop3A_265 : vector<1x16xf32> to vector<16xf32>
        %parallel_loop3A_267 = vector.broadcast %squeeze3A_215 : f32 to vector<16xf32>
        %parallel_loop3A_268 = arith.mulf %parallel_loop3A_266, %parallel_loop3A_267 : vector<16xf32>
        %parallel_loop3A_269 = arith.constant 1 : i32
        %parallel_loop3A_270 = arith.index_cast %parallel_loop3A_269 : i32 to index
        %parallel_loop3A_271 = arith.index_cast %parallel_loop3A_248 : i32 to index
        %parallel_loop3A_272 = tpu.vector_load %arg9[%parallel_loop3A_270, %parallel_loop3A_271] {strides = array<i32>} : memref<8x2048xf32, #tpu.memory_space<vmem>>, vector<1x16xf32>,
        %parallel_loop3A_273 = vector.shape_cast %parallel_loop3A_272 : vector<1x16xf32> to vector<16xf32>
        %parallel_loop3A_274 = vector.shape_cast %parallel_loop3A_268 : vector<16xf32> to vector<1x16xf32>
        tpu.vector_store %arg9[%parallel_loop3A_270, %parallel_loop3A_271], %parallel_loop3A_274 {strides = array<i32>} : memref<8x2048xf32, #tpu.memory_space<vmem>>, vector<1x16xf32>,
        %parallel_loop3A_275 = arith.constant 10 : i32
        %parallel_loop3A_276 = arith.index_cast %parallel_loop3A_275 : i32 to index
        %parallel_loop3A_277 = arith.index_cast %parallel_loop3A_248 : i32 to index
        %parallel_loop3A_278 = tpu.vector_load %arg7[%parallel_loop3A_276, %parallel_loop3A_277] {strides = array<i32>} : memref<16x2048xf32, #tpu.memory_space<vmem>>, vector<1x16xf32>,
        %parallel_loop3A_279 = vector.shape_cast %parallel_loop3A_278 : vector<1x16xf32> to vector<16xf32>
        %parallel_loop3A_280 = vector.broadcast %squeeze3A_217 : f32 to vector<16xf32>
        %parallel_loop3A_281 = arith.mulf %parallel_loop3A_279, %parallel_loop3A_280 : vector<16xf32>
        %parallel_loop3A_282 = arith.constant 2 : i32
        %parallel_loop3A_283 = arith.index_cast %parallel_loop3A_282 : i32 to index
        %parallel_loop3A_284 = arith.index_cast %parallel_loop3A_248 : i32 to index
        %parallel_loop3A_285 = tpu.vector_load %arg9[%parallel_loop3A_283, %parallel_loop3A_284] {strides = array<i32>} : memref<8x2048xf32, #tpu.memory_space<vmem>>, vector<1x16xf32>,
        %parallel_loop3A_286 = vector.shape_cast %parallel_loop3A_285 : vector<1x16xf32> to vector<16xf32>
        %parallel_loop3A_287 = vector.shape_cast %parallel_loop3A_281 : vector<16xf32> to vector<1x16xf32>
        tpu.vector_store %arg9[%parallel_loop3A_283, %parallel_loop3A_284], %parallel_loop3A_287 {strides = array<i32>} : memref<8x2048xf32, #tpu.memory_space<vmem>>, vector<1x16xf32>,
        %parallel_loop3A_288 = arith.constant 11 : i32
        %parallel_loop3A_289 = arith.index_cast %parallel_loop3A_288 : i32 to index
        %parallel_loop3A_290 = arith.index_cast %parallel_loop3A_248 : i32 to index
        %parallel_loop3A_291 = tpu.vector_load %arg7[%parallel_loop3A_289, %parallel_loop3A_290] {strides = array<i32>} : memref<16x2048xf32, #tpu.memory_space<vmem>>, vector<1x16xf32>,
        %parallel_loop3A_292 = vector.shape_cast %parallel_loop3A_291 : vector<1x16xf32> to vector<16xf32>
        %parallel_loop3A_293 = vector.broadcast %squeeze3A_219 : f32 to vector<16xf32>
        %parallel_loop3A_294 = arith.mulf %parallel_loop3A_292, %parallel_loop3A_293 : vector<16xf32>
        %parallel_loop3A_295 = arith.constant 3 : i32
        %parallel_loop3A_296 = arith.index_cast %parallel_loop3A_295 : i32 to index
        %parallel_loop3A_297 = arith.index_cast %parallel_loop3A_248 : i32 to index
        %parallel_loop3A_298 = tpu.vector_load %arg9[%parallel_loop3A_296, %parallel_loop3A_297] {strides = array<i32>} : memref<8x2048xf32, #tpu.memory_space<vmem>>, vector<1x16xf32>,
        %parallel_loop3A_299 = vector.shape_cast %parallel_loop3A_298 : vector<1x16xf32> to vector<16xf32>
        %parallel_loop3A_300 = vector.shape_cast %parallel_loop3A_294 : vector<16xf32> to vector<1x16xf32>
        tpu.vector_store %arg9[%parallel_loop3A_296, %parallel_loop3A_297], %parallel_loop3A_300 {strides = array<i32>} : memref<8x2048xf32, #tpu.memory_space<vmem>>, vector<1x16xf32>,
        %parallel_loop3A_301 = arith.constant 12 : i32
        %parallel_loop3A_302 = arith.index_cast %parallel_loop3A_301 : i32 to index
        %parallel_loop3A_303 = arith.index_cast %parallel_loop3A_248 : i32 to index
        %parallel_loop3A_304 = tpu.vector_load %arg7[%parallel_loop3A_302, %parallel_loop3A_303] {strides = array<i32>} : memref<16x2048xf32, #tpu.memory_space<vmem>>, vector<1x16xf32>,
        %parallel_loop3A_305 = vector.shape_cast %parallel_loop3A_304 : vector<1x16xf32> to vector<16xf32>
        %parallel_loop3A_306 = vector.broadcast %squeeze3A_221 : f32 to vector<16xf32>
        %parallel_loop3A_307 = arith.mulf %parallel_loop3A_305, %parallel_loop3A_306 : vector<16xf32>
        %parallel_loop3A_308 = arith.constant 4 : i32
        %parallel_loop3A_309 = arith.index_cast %parallel_loop3A_308 : i32 to index
        %parallel_loop3A_310 = arith.index_cast %parallel_loop3A_248 : i32 to index
        %parallel_loop3A_311 = tpu.vector_load %arg9[%parallel_loop3A_309, %parallel_loop3A_310] {strides = array<i32>} : memref<8x2048xf32, #tpu.memory_space<vmem>>, vector<1x16xf32>,
        %parallel_loop3A_312 = vector.shape_cast %parallel_loop3A_311 : vector<1x16xf32> to vector<16xf32>
        %parallel_loop3A_313 = vector.shape_cast %parallel_loop3A_307 : vector<16xf32> to vector<1x16xf32>
        tpu.vector_store %arg9[%parallel_loop3A_309, %parallel_loop3A_310], %parallel_loop3A_313 {strides = array<i32>} : memref<8x2048xf32, #tpu.memory_space<vmem>>, vector<1x16xf32>,
        %parallel_loop3A_314 = arith.constant 13 : i32
        %parallel_loop3A_315 = arith.index_cast %parallel_loop3A_314 : i32 to index
        %parallel_loop3A_316 = arith.index_cast %parallel_loop3A_248 : i32 to index
        %parallel_loop3A_317 = tpu.vector_load %arg7[%parallel_loop3A_315, %parallel_loop3A_316] {strides = array<i32>} : memref<16x2048xf32, #tpu.memory_space<vmem>>, vector<1x16xf32>,
        %parallel_loop3A_318 = vector.shape_cast %parallel_loop3A_317 : vector<1x16xf32> to vector<16xf32>
        %parallel_loop3A_319 = vector.broadcast %squeeze3A_223 : f32 to vector<16xf32>
        %parallel_loop3A_320 = arith.mulf %parallel_loop3A_318, %parallel_loop3A_319 : vector<16xf32>
        %parallel_loop3A_321 = arith.constant 5 : i32
        %parallel_loop3A_322 = arith.index_cast %parallel_loop3A_321 : i32 to index
        %parallel_loop3A_323 = arith.index_cast %parallel_loop3A_248 : i32 to index
        %parallel_loop3A_324 = tpu.vector_load %arg9[%parallel_loop3A_322, %parallel_loop3A_323] {strides = array<i32>} : memref<8x2048xf32, #tpu.memory_space<vmem>>, vector<1x16xf32>,
        %parallel_loop3A_325 = vector.shape_cast %parallel_loop3A_324 : vector<1x16xf32> to vector<16xf32>
        %parallel_loop3A_326 = vector.shape_cast %parallel_loop3A_320 : vector<16xf32> to vector<1x16xf32>
        tpu.vector_store %arg9[%parallel_loop3A_322, %parallel_loop3A_323], %parallel_loop3A_326 {strides = array<i32>} : memref<8x2048xf32, #tpu.memory_space<vmem>>, vector<1x16xf32>,
        %parallel_loop3A_327 = arith.constant 14 : i32
        %parallel_loop3A_328 = arith.index_cast %parallel_loop3A_327 : i32 to index
        %parallel_loop3A_329 = arith.index_cast %parallel_loop3A_248 : i32 to index
        %parallel_loop3A_330 = tpu.vector_load %arg7[%parallel_loop3A_328, %parallel_loop3A_329] {strides = array<i32>} : memref<16x2048xf32, #tpu.memory_space<vmem>>, vector<1x16xf32>,
        %parallel_loop3A_331 = vector.shape_cast %parallel_loop3A_330 : vector<1x16xf32> to vector<16xf32>
        %parallel_loop3A_332 = vector.broadcast %squeeze3A_225 : f32 to vector<16xf32>
        %parallel_loop3A_333 = arith.mulf %parallel_loop3A_331, %parallel_loop3A_332 : vector<16xf32>
        %parallel_loop3A_334 = arith.constant 6 : i32
        %parallel_loop3A_335 = arith.index_cast %parallel_loop3A_334 : i32 to index
        %parallel_loop3A_336 = arith.index_cast %parallel_loop3A_248 : i32 to index
        %parallel_loop3A_337 = tpu.vector_load %arg9[%parallel_loop3A_335, %parallel_loop3A_336] {strides = array<i32>} : memref<8x2048xf32, #tpu.memory_space<vmem>>, vector<1x16xf32>,
        %parallel_loop3A_338 = vector.shape_cast %parallel_loop3A_337 : vector<1x16xf32> to vector<16xf32>
        %parallel_loop3A_339 = vector.shape_cast %parallel_loop3A_333 : vector<16xf32> to vector<1x16xf32>
        tpu.vector_store %arg9[%parallel_loop3A_335, %parallel_loop3A_336], %parallel_loop3A_339 {strides = array<i32>} : memref<8x2048xf32, #tpu.memory_space<vmem>>, vector<1x16xf32>,
        %parallel_loop3A_340 = arith.constant 15 : i32
        %parallel_loop3A_341 = arith.index_cast %parallel_loop3A_340 : i32 to index
        %parallel_loop3A_342 = arith.index_cast %parallel_loop3A_248 : i32 to index
        %parallel_loop3A_343 = tpu.vector_load %arg7[%parallel_loop3A_341, %parallel_loop3A_342] {strides = array<i32>} : memref<16x2048xf32, #tpu.memory_space<vmem>>, vector<1x16xf32>,
        %parallel_loop3A_344 = vector.shape_cast %parallel_loop3A_343 : vector<1x16xf32> to vector<16xf32>
        %parallel_loop3A_345 = vector.broadcast %squeeze3A_227 : f32 to vector<16xf32>
        %parallel_loop3A_346 = arith.mulf %parallel_loop3A_344, %parallel_loop3A_345 : vector<16xf32>
        %parallel_loop3A_347 = arith.constant 7 : i32
        %parallel_loop3A_348 = arith.index_cast %parallel_loop3A_347 : i32 to index
        %parallel_loop3A_349 = arith.index_cast %parallel_loop3A_248 : i32 to index
        %parallel_loop3A_350 = tpu.vector_load %arg9[%parallel_loop3A_348, %parallel_loop3A_349] {strides = array<i32>} : memref<8x2048xf32, #tpu.memory_space<vmem>>, vector<1x16xf32>,
        %parallel_loop3A_351 = vector.shape_cast %parallel_loop3A_350 : vector<1x16xf32> to vector<16xf32>
        %parallel_loop3A_352 = vector.shape_cast %parallel_loop3A_346 : vector<16xf32> to vector<1x16xf32>
        tpu.vector_store %arg9[%parallel_loop3A_348, %parallel_loop3A_349], %parallel_loop3A_352 {strides = array<i32>} : memref<8x2048xf32, #tpu.memory_space<vmem>>, vector<1x16xf32>,
      } {sc.loop_unroll_factor = 2 : i64, sc.parallel_access}
      %mul3A_231 = arith.constant 16 : i32
      %mul3A_232 = arith.muli %add3A_150, %mul3A_231 : i32
      %add3A_233 = arith.addi %mul3A_2, %mul3A_232 : i32
      %add3A_234 = arith.constant 8 : i32
      %add3A_235 = arith.addi %add3A_233, %add3A_234 : i32
      %dma_start3A_236 = arith.constant 1 : i32
      %dma_start3A_237 = arith.constant 0 : i32
      %dma_start3A_238 = tpu.memref_slice %arg5[%add3A_235, %dma_start3A_237] : memref<32768x2048xf32, #tpu.memory_space<hbm>> -> memref<8x2048xf32, #tpu.memory_space<hbm>>
      %dma_start3A_239 = tpu.memref_slice %arg13[%dma_start3A_236] : memref<2x!tpu.dma_semaphore, #tpu.memory_space<semaphore_mem>> -> memref<1x!tpu.dma_semaphore, #tpu.memory_space<semaphore_mem>>
      %dma_start3A_240 = tpu.memref_squeeze %dma_start3A_239 : memref<1x!tpu.dma_semaphore, #tpu.memory_space<semaphore_mem>> -> memref<!tpu.dma_semaphore, #tpu.memory_space<semaphore_mem>>
      %dma_start3A_241 = arith.constant 0 : i32
      %dma_start3A_242 = tpu.memref_slice %arg5[%add3A_235, %dma_start3A_241] : memref<32768x2048xf32, #tpu.memory_space<hbm>> -> memref<8x2048xf32, #tpu.memory_space<hbm>>
      tpu.enqueue_dma source(%arg9 : memref<8x2048xf32, #tpu.memory_space<vmem>>) target(%dma_start3A_242 : memref<8x2048xf32, #tpu.memory_space<hbm>>) target_semaphore(%dma_start3A_240 : memref<!tpu.dma_semaphore, #tpu.memory_space<semaphore_mem>>)
      %lt3A_243 = arith.constant 31 : i32
      %lt3A_244 = arith.cmpi slt, %add3A_53, %lt3A_243 : i32
      %convert_element_type3A_245 = arith.extui %lt3A_244 : i1 to i32
      %cond3A_246 = arith.constant 0 : i32
      %cond3A_247 = arith.cmpi ne, %convert_element_type3A_245, %cond3A_246 : i32
      scf.if %cond3A_247 {
        %add3A_248 = arith.constant 2 : i32
        %add3A_249 = arith.addi %add3A_150, %add3A_248 : i32
        %mul3A_250 = arith.constant 16 : i32
        %mul3A_251 = arith.muli %add3A_249, %mul3A_250 : i32
        %add3A_252 = arith.addi %mul3A_2, %mul3A_251 : i32
        %dma_start3A_253 = arith.constant 1 : i32
        %dma_start3A_254 = arith.constant 0 : i32
        %dma_start3A_255 = tpu.memref_slice %arg2[%add3A_252, %dma_start3A_254] : memref<32768x2048xf32, #tpu.memory_space<hbm>> -> memref<16x2048xf32, #tpu.memory_space<hbm>>
        %dma_start3A_256 = tpu.memref_slice %arg12[%dma_start3A_253] : memref<2x!tpu.dma_semaphore, #tpu.memory_space<semaphore_mem>> -> memref<1x!tpu.dma_semaphore, #tpu.memory_space<semaphore_mem>>
        %dma_start3A_257 = tpu.memref_squeeze %dma_start3A_256 : memref<1x!tpu.dma_semaphore, #tpu.memory_space<semaphore_mem>> -> memref<!tpu.dma_semaphore, #tpu.memory_space<semaphore_mem>>
        %dma_start3A_258 = arith.constant 0 : i32
        %dma_start3A_259 = tpu.memref_slice %arg2[%add3A_252, %dma_start3A_258] : memref<32768x2048xf32, #tpu.memory_space<hbm>> -> memref<16x2048xf32, #tpu.memory_space<hbm>>
        tpu.enqueue_dma source(%dma_start3A_259 : memref<16x2048xf32, #tpu.memory_space<hbm>>) target(%arg7 : memref<16x2048xf32, #tpu.memory_space<vmem>>) target_semaphore(%dma_start3A_257 : memref<!tpu.dma_semaphore, #tpu.memory_space<semaphore_mem>>)
      } else {
      }
    }
    %scan3A_30 = arith.constant 32 : i32
    %dma_wait3A_31 = arith.constant 0 : i32
    %dma_wait3A_32 = arith.constant 0 : i32
    %dma_wait3A_33 = arith.constant 0 : i32
    %dma_wait3A_34 = tpu.memref_slice %arg5[%dma_wait3A_32, %dma_wait3A_33] : memref<32768x2048xf32, #tpu.memory_space<hbm>> -> memref<8x2048xf32, #tpu.memory_space<hbm>>
    %dma_wait3A_35 = tpu.memref_slice %arg13[%dma_wait3A_31] : memref<2x!tpu.dma_semaphore, #tpu.memory_space<semaphore_mem>> -> memref<1x!tpu.dma_semaphore, #tpu.memory_space<semaphore_mem>>
    %dma_wait3A_36 = tpu.memref_squeeze %dma_wait3A_35 : memref<1x!tpu.dma_semaphore, #tpu.memory_space<semaphore_mem>> -> memref<!tpu.dma_semaphore, #tpu.memory_space<semaphore_mem>>
    %dma_wait3A_37 = arith.constant 0 : i32
    %dma_wait3A_38 = arith.constant 0 : i32
    %dma_wait3A_39 = tpu.memref_slice %arg5[%dma_wait3A_37, %dma_wait3A_38] : memref<32768x2048xf32, #tpu.memory_space<hbm>> -> memref<8x2048xf32, #tpu.memory_space<hbm>>
    tpu.wait_dma2 semaphore(%dma_wait3A_36 : memref<!tpu.dma_semaphore, #tpu.memory_space<semaphore_mem>>) src(%arg8 : memref<8x2048xf32, #tpu.memory_space<vmem>>) dst(%dma_wait3A_39 : memref<8x2048xf32, #tpu.memory_space<hbm>>)
    %dma_wait3A_40 = arith.constant 1 : i32
    %dma_wait3A_41 = arith.constant 0 : i32
    %dma_wait3A_42 = arith.constant 0 : i32
    %dma_wait3A_43 = tpu.memref_slice %arg5[%dma_wait3A_41, %dma_wait3A_42] : memref<32768x2048xf32, #tpu.memory_space<hbm>> -> memref<8x2048xf32, #tpu.memory_space<hbm>>
    %dma_wait3A_44 = tpu.memref_slice %arg13[%dma_wait3A_40] : memref<2x!tpu.dma_semaphore, #tpu.memory_space<semaphore_mem>> -> memref<1x!tpu.dma_semaphore, #tpu.memory_space<semaphore_mem>>
    %dma_wait3A_45 = tpu.memref_squeeze %dma_wait3A_44 : memref<1x!tpu.dma_semaphore, #tpu.memory_space<semaphore_mem>> -> memref<!tpu.dma_semaphore, #tpu.memory_space<semaphore_mem>>
    %dma_wait3A_46 = arith.constant 0 : i32
    %dma_wait3A_47 = arith.constant 0 : i32
    %dma_wait3A_48 = tpu.memref_slice %arg5[%dma_wait3A_46, %dma_wait3A_47] : memref<32768x2048xf32, #tpu.memory_space<hbm>> -> memref<8x2048xf32, #tpu.memory_space<hbm>>
    tpu.wait_dma2 semaphore(%dma_wait3A_45 : memref<!tpu.dma_semaphore, #tpu.memory_space<semaphore_mem>>) src(%arg9 : memref<8x2048xf32, #tpu.memory_space<vmem>>) dst(%dma_wait3A_48 : memref<8x2048xf32, #tpu.memory_space<hbm>>)
    return
  }
}

</mosaic_0001>

<sc_bundles>
// kernel: kernel.3.cloned.1.call-start
scs
__scs_entry_jumppad:
0x0: {  	(pc) =	sbr.rel $0x88, $3  }
0x1: {  	(tag) =	ssettag $0x0;
	lr =	simm.s32 $0x1  }
0x2: {  	[smem:$0x3F9F] =	sst lr;
	_ =	strace $0xD0000000  }
0x3: {  	_ = 	snop  }
0x4: {  	_ = 	snop  }
0x5: {  	_ = 	snop  }
0x6: {  	_ = 	snop  }
0x7: {  	_ = 	snop  }
__scs_overlays_trampoline_lowered:
0x8: {  	[smem:$0x3FAE] =	sst s0  }
0x9: {  	[smem:$0x3FAF] =	sst s1  }
0xa: {  	[smem:$0x3FB0] =	sst s2  }
0xb: {  	[smem:$0x3FB1] =	sst s3  }
0xc: {  	[smem:$0x3FB2] =	sst s4  }
0xd: {  	[smem:$0x3FB3] =	sst s5  }
0xe: {  	[smem:$0x3FB4] =	sst s6  }
0xf: {  	[smem:$0x3FB5] =	sst s7  }
0x10: {  	[smem:$0x3FB6] =	sst s8  }
0x11: {  	[smem:$0x3FB7] =	sst s9;
	s0 =	simm.s32 @!p0 $0x0  }
0x12: {  	s1 =	sld [smem:$0x3F9D];
	s0 =	simm.s32 @p0 $0x1  }
0x13: {  	[smem:$0x3FB8] =	sst s0;
	s0 =	simm.s32 @!p1 $0x0  }
0x14: {  	s2 =	sld [smem:$0x3F9C];
	s0 =	simm.s32 @p1 $0x1  }
0x15: {  	[smem:$0x3FB9] =	sst s0;
	s0 =	simm.s32 @!p2 $0x0  }
0x16: {  	s3 =	sld [smem:$0x3FDB];
	s0 =	simm.s32 @p2 $0x1  }
0x17: {  	s4 =	simm.s32 $0x1BF5;
	[smem:$0x3FBB] =	sst s0  }
0x18: {  	s0 =	sld [smem:$0x3F9E];
	_ =	swait.ge [sflag:s4], $0x0  }
0x19: {  	s7 =	sld [smem:$0x3F9F]  }
0x1a: {  	s8 =	sadd.s32 $0xFFFFE003, lr  }
0x1b: {  	s9 =	sadd.s32 $0xFFFFFEF7, lr;
	s5 =	simm.s32 $0xFFFFFFFF;
	p2 =	slt.u32 s8, $0xFFFFF086  }
0x1c: {  	p1 =	slt.u32 s9, $0xF7A;
	s5 =	simm.s32 @!p2 $0x0  }
0x1d: {  	s5 =	simm.s32 @p1 $0x1;
	p0 =	seq.s32 s7, s2  }
0x1e: {  	s7 =	smul.u32 @!p0 $0xF7A, s2;
	p2 =	seq.s32 @!p0 s5, $0x0  }
0x1f: {  	s9 =	smul.u32 $0xF7A, s1;
	s8 =	simm.s32 @!p0 $0x1BF5;
	p2 =	por !p2, p0  }
0x20: {  	[sflag:s8] =	ssyncset.s32 @!p0 $0xFFFFF086;
	s6 =	sadd.s32 @!p0 s3, s7;
	s7 =	simm.s32 @!p0 $0x108  }
0x21: {  	s3 =	sadd.s32 s3, s9;
	s6 =	sadd.s32 @!p0 $0x88, s6;
	s7 =	simm.s32 @p2 $0x1082  }
0x22: {  	[simem:s7], [sflag:s8] =	dma.local @!p0 [hbm:s6], $0xF7A  }
0x23: {  	s9 =	sor.u32 $0xD0000000, s2;
	s6 =	simm.s32 $0x108;
	_ =	swait.ge @!p0 [sflag:s8], $0x0  }
0x24: {  	s3 =	sadd.s32 $0x88, s3;
	s6 =	simm.s32 @!p1 $0x1082;
	[sflag:s4] =	ssyncset.s32 $0xFFFFF086  }
0x25: {  	[simem:s6], [sflag:s4] =	dma.local [hbm:s3], $0xF7A  }
0x26: {  	[smem:$0x3F9F] =	sst s1;
	(tag) =	ssettag s2;
	_ =	strace s9  }
0x27: {  	s1 =	sld [smem:$0x3FAF]  }
0x28: {  	s2 =	sld [smem:$0x3FB0]  }
0x29: {  	s4 =	sld [smem:$0x3FB2]  }
0x2a: {  	p0 =	seq.s32 s5, $0x0;
	s5 =	sld [smem:$0x3FB3]  }
0x2b: {  	s6 =	sld [smem:$0x3FB4]  }
0x2c: {  	s7 =	sld [smem:$0x3FB5]  }
0x2d: {  	s3 =	simm.s32 $0x108;
	s8 =	sld [smem:$0x3FB6]  }
0x2e: {  	s3 =	simm.s32 @!p0 $0x1082;
	s9 =	sld [smem:$0x3FB7]  }
0x2f: {  	lr =	sadd.s32 s0, s3;
	s0 =	sld [smem:$0x3FAE]  }
0x30: {  	s3 =	sld [smem:$0x3FB1]  }
0x31: {  	[smem:$0x3FBA] =	sst s10  }
0x32: {  	s10 =	sld [smem:$0x3FB8];
	_ =	sdelay $0x3  }
0x33: {  	p0 =	seq.s32 s10, $0x1;
	s10 =	sld [smem:$0x3FBA];
	_ =	sdelay $0x3  }
0x34: {  	[smem:$0x3FBA] =	sst s10  }
0x35: {  	s10 =	sld [smem:$0x3FB9];
	_ =	sdelay $0x3  }
0x36: {  	p1 =	seq.s32 s10, $0x1;
	s10 =	sld [smem:$0x3FBA];
	_ =	sdelay $0x3  }
0x37: {  	[smem:$0x3FBA] =	sst s10  }
0x38: {  	s10 =	sld [smem:$0x3FBB]  }
0x39: {  	_ = 	snop;
	(pc) =	sbr.ind lr, $3  }
0x3a: {  	_ = 	snop  }
0x3b: {  	_ = 	snop  }
0x3c: {  	p2 =	seq.s32 s10, $0x1;
	s10 =	sld [smem:$0x3FBA]  }
0x3d: {  	_ =	shalt  }
0x3e: {  	_ =	shalt  }
0x3f: {  	_ =	shalt  }
0x40: {  	_ =	shalt  }
0x41: {  	_ =	shalt  }
0x42: {  	_ =	shalt  }
0x43: {  	_ =	shalt  }
0x44: {  	_ =	shalt  }
0x45: {  	_ =	shalt  }
0x46: {  	_ =	shalt  }
0x47: {  	_ =	shalt  }
0x48: {  	_ =	shalt  }
0x49: {  	_ =	shalt  }
0x4a: {  	_ =	shalt  }
0x4b: {  	_ =	shalt  }
0x4c: {  	_ =	shalt  }
0x4d: {  	_ =	shalt  }
0x4e: {  	_ =	shalt  }
0x4f: {  	_ =	shalt  }
0x50: {  	_ =	shalt  }
0x51: {  	_ =	shalt  }
0x52: {  	_ =	shalt  }
0x53: {  	_ =	shalt  }
0x54: {  	_ =	shalt  }
0x55: {  	_ =	shalt  }
0x56: {  	_ =	shalt  }
0x57: {  	_ =	shalt  }
0x58: {  	_ =	shalt  }
0x59: {  	_ =	shalt  }
0x5a: {  	_ =	shalt  }
0x5b: {  	_ =	shalt  }
0x5c: {  	_ =	shalt  }
0x5d: {  	_ =	shalt  }
0x5e: {  	_ =	shalt  }
0x5f: {  	_ =	shalt  }
0x60: {  	_ =	shalt  }
0x61: {  	_ =	shalt  }
0x62: {  	_ =	shalt  }
0x63: {  	_ =	shalt  }
0x64: {  	_ =	shalt  }
0x65: {  	_ =	shalt  }
0x66: {  	_ =	shalt  }
0x67: {  	_ =	shalt  }
0x68: {  	_ =	shalt  }
0x69: {  	_ =	shalt  }
0x6a: {  	_ =	shalt  }
0x6b: {  	_ =	shalt  }
0x6c: {  	_ =	shalt  }
0x6d: {  	_ =	shalt  }
0x6e: {  	_ =	shalt  }
0x6f: {  	_ =	shalt  }
0x70: {  	_ =	shalt  }
0x71: {  	_ =	shalt  }
0x72: {  	_ =	shalt  }
0x73: {  	_ =	shalt  }
0x74: {  	_ =	shalt  }
0x75: {  	_ =	shalt  }
0x76: {  	_ =	shalt  }
0x77: {  	_ =	shalt  }
0x78: {  	_ =	shalt  }
0x79: {  	_ =	shalt  }
0x7a: {  	_ =	shalt  }
0x7b: {  	_ =	shalt  }
0x7c: {  	_ =	shalt  }
0x7d: {  	_ =	shalt  }
0x7e: {  	_ =	shalt  }
0x7f: {  	_ =	shalt  }
0x80: {  	_ =	shalt  }
0x81: {  	_ =	shalt  }
0x82: {  	_ =	shalt  }
0x83: {  	_ =	shalt  }
0x84: {  	_ =	shalt  }
0x85: {  	_ =	shalt  }
0x86: {  	_ =	shalt  }
0x87: {  	_ =	shalt  }
.Lfunc_end0:
.L_simem_size_0:
called_computation_lowered:
.L_overlay_start_0:
0x88: {  	s2 =	sld [smem:$0x3FD9]  }
0x89: {  	s3 =	sld [smem:$0x3FFE];
	_ =	sdelay $0x1  }
0x8a: {  	s1 =	srdreg.scid  }
0x8b: {  	s0 =	sand.u32 $0x1, s1  }
0x8c: {  	s17 =	sshll.u32 s0, $0xA;
	s2 =	sadd.s32 s3, s2  }
0x8d: {  	s2 =	sadd.s32 s2, s17  }
0x8e: {  	[smem:$0x3FC6] =	sst s2  }
0x8f: {  	_ = 	snop  }
0x90: {  	s2 =	sld [smem:$0x3FC9]  }
0x91: {  	s18 =	sld [smem:$0x3FD0];
	(tm) =	ssettm $0x1  }
0x92: {  	s4 =	sld [smem:$0x3FFB];
	_ =	sdelay $0x3  }
0x93: {  	_ =	strace s4  }
0x94: {  	s4 =	sld [smem:$0x3FFC];
	_ =	sdelay $0x3  }
0x95: {  	_ =	strace s4  }
0x96: {  	s4 =	sld [smem:$0x3FFD];
	_ =	sdelay $0x3  }
0x97: {  	_ =	strace s4  }
0x98: {  	_ =	strace $0x8FFFFFFF  }
0x99: {  	s19 =	sld [smem:$0x3FDB];
	_ =	sdelay $0x1  }
0x9a: {  	s5 =	simm.s32 $_scs_section_size  }
0x9b: {  	s6 =	simm.s32 $_size__tile_overlayer_lowered;
	s7 =	simm.s32 $_tile_overlayer_lowered  }
0x9c: {  	s22 =	simm.s32 $0x1BFF;
	s21 =	sshll.u32 s7, $0x1;
	s4 =	sadd.s32 s5, s19  }
0x9d: {  	s8 =	simm.s32 $0x0;
	s20 =	sshll.u32 s6, $0x1;
	s6 =	sadd.s32 s21, s4  }
0x9e: {  	[timem:s8], [sflag:s22] =	dma.local [hbm:s6], s20  }
0x9f: {  	_ =	swait.ge [sflag:s22], s20  }
0xa0: {  	s5 =	ssub.s32 $0x0, s20;
	[sflag:s22] =	ssyncset.done $0x0  }
0xa1: {  	[sflag:s22] =	ssyncadd.s32 s5;
	_ =	sdelay $0x1  }
0xa2: {  	s23 =	simm.s32 $0x1B8B  }
0xa3: {  	_ =	swait.ge [sflag:s23], $0x1  }
0xa4: {  	[sflag:s23] =	ssyncset.done $0x0  }
0xa5: {  	s25 =	simm.s32 $0x1B8E;
	s24 =	sld [smem:$0x3FFE];
	[sflag:s23] =	ssyncadd.s32 $0xFFFFFFFF  }
0xa6: {  	s26 =	simm.s32 $execute0_lowered;
	[smem:$0x3FD2] =	sst s25  }
0xa7: {  	s6 =	sshll.u32 s26, $0x1;
	_ =	strace $0x80000046;
	[dreg:$0x1] =	wrdreg $0xFFFFFFFF  }
0xa8: {  	s28 =	simm.s32 $_size_execute0_lowered;
	s4 =	sadd.s32 s4, s6;
	[dreg:$0x0] =	wrdreg $0x0  }
0xa9: {  	s6 =	sshll.u32 s28, $0x1;
	[dreg:$0x2] =	wrdreg s4  }
0xaa: {  	[dreg:$0x3] =	wrdreg s6  }
0xab: {  	[dreg:$0x4] =	wrdreg $0xC0  }
0xac: {  	_ =	task [dreg:s8], $0x5FFFF  }
0xad: {  	[dreg:$0x1] =	wrdreg $0xFFFFFFFF  }
0xae: {  	[dreg:$0x0] =	wrdreg $0x60  }
0xaf: {  	[dreg:$0x2] =	wrdreg s2  }
0xb0: {  	[dreg:$0x3] =	wrdreg s24  }
0xb1: {  	[dreg:$0x4] =	wrdreg s18  }
0xb2: {  	[dreg:$0x5] =	wrdreg $0x9  }
0xb3: {  	_ =	task.clear_ibuf [dreg:s8], $0x6FFFF;
	_ =	strace $0x90000046  }
0xb4: {  	s29 =	simm.s32 $0x9;
	_ =	strace $0x80000048  }
0xb5: {  	_ =	swait.ge [sflag:s29], $0x1  }
0xb6: {  	[sflag:s29] =	ssyncadd.s32 $0xFFFFFFFF  }
0xb7: {  	_ =	strace $0x90000048  }
0xb8: {  	_ =	sfence  }
0xb9: {  	s30 =	sld [smem:$0x0];
	_ =	sdelay $0x2  }
0xba: {  	s31 =	sshll.u32 s1, $0xD;
	s1 =	sshrl.u32 s1, $0x2  }
0xbb: {  	s3 =	sand.u32 $0x4000, s31;
	s1 =	sadd.s32 s1, s30  }
0xbc: {  	s0 =	sor.u32 s3, s0;
	s1 =	sshll.u32 s1, $0x11  }
0xbd: {  	s0 =	sor.u32 s1, s0  }
0xbe: {  	s0 =	sadd.s32 $0x8F2B, s0  }
0xbf: {  	[sflag:s0] =	ssyncadd.remote.s32 $0x1  }
0xc0: {  	_ =	sfence.sel $0xFFFF  }
0xc1: {  	[dreg:$0x0] =	wrdreg $0xFFFFFFFF;
	(pc) =	sbr.abs _section_cstart, $3  }
0xc2: {  	[dreg:$0x1] =	wrdreg $0xFFFFFFFF  }
0xc3: {  	_ =	task.clear_ibuf [dreg:s8], $0x2FFFF;
	_ =	strace $0x9FFFFFFF  }
0xc4: {  	(tm) =	ssettm $0x7FFFFFFF  }
0xc5: {  	_ =	shalt  }
tec
execute0_lowered:
.L_overlay_start_1:
0x0: {  	(tag) =	ssettag $0x1  }
0x1: {  	s7 =	rddreg [dreg:$0x0]  }
0x2: {  	s0 =	rddreg [dreg:$0x1]  }
0x3: {  	s8 =	rddreg [dreg:$0x2];
	s1 =	srdreg.scid  }
0x4: {  	s4 =	simm.s32 $0x0;
	s2 =	stileid.u32;
	s1 =	sand.u32 $0x1, s1  }
0x5: {  	[smem:$0x7FF] =	sst s4;
	s2 =	sshll.u32 s2, $0xB;
	s3 =	sshll.u32 s1, $0xA  }
0x6: {  	_ =	strace $0x80000047;
	s1 =	ssub.s32 $0x2, s1;
	s5 =	sor.u32 s3, s2  }
0x7: {  	s25 =	sshrl.u32 s1, $0x1;
	s2 =	sshrl.u32 s5, $0x3;
	s29 =	sor.u32 $0x20, s5  }
0x8: {  	s6 =	sshll.u32 s5, $0x8;
	s30 =	sor.u32 $0x30, s5;
	[dreg:$0x8] =	wrdreg s29  }
0x9: {  	s1 =	ssub.s32 s1, s25;
	s26 =	sadd.s32 s7, s6;
	[dreg:$0x9] =	wrdreg s30  }
.Ltmp0:
0xa: {  	s31 =	smax.u32 s1, $0x1;
	[dreg:$0x4] =	wrdreg s26;
	(pc) =	sbr.rel .LBB2_1-.Ltmp0, $4  }
0xb: {  	s0 =	sadd.s32 s2, s0;
	s2 =	sadd.s32 $0x1000, s26;
	[dreg:$0xa] =	wrdreg s31  }
0xc: {  	s28 =	sadd.s32 $0x1600, s0;
	[dreg:$0x5] =	wrdreg s2  }
0xd: {  	s0 =	sadd.s32 $0x600, s0;
	[dreg:$0x6] =	wrdreg s28  }
0xe: {  	s10 =	sadd.s32 $0x800, s8;
	[dreg:$0x7] =	wrdreg s0;
	s2 =	simm.s32 $0x0  }
.LBB2_12:
0xf: {  	s0 =	simm.s32 $0x3  }
0x10: {  	_ =	swait.ge [sflag:s0], $0x4000  }
0x11: {  	[sflag:s0] =	ssyncset.done $0x0  }
0x12: {  	s1 =	simm.s32 $0x4;
	[sflag:s0] =	ssyncadd.s32 $0xFFFFC000  }
0x13: {  	_ =	swait.ge [sflag:s1], $0x4000  }
0x14: {  	s2 =	rddreg [dreg:$0xb]  }
0x15: {  	s31 =	rddreg [dreg:$0xa];
	s2 =	sadd.s32 $0x1, s2  }
0x16: {  	p0 =	sne.s32 s2, s31  }
.Ltmp1:
0x17: {  	_ = 	snop;
	(pc) =	sbr.rel @!p0 .LBB2_13-.Ltmp1, $3  }
0x18: {  	_ =	sdelay $0x1  }
0x19: {  	[sflag:s1] =	ssyncset.done $0x0  }
0x1a: {  	[sflag:s1] =	ssyncadd.s32 $0xFFFFC000  }
.LBB2_1:
0x1b: {  	[dreg:$0xb] =	wrdreg s2  }
0x1c: {  	s0 =	rddreg [dreg:$0x4]  }
0x1d: {  	[tilespmem:s4], [sflag:$0x1] =	stream.linear.gather [hbm4b:s0+s4], $0x8000, $0x38;
	[tilespmem:$0x18800] =	vst v63  }
0x1e: {  	s25 =	rddreg [dreg:$0x5];
	s1 =	simm.s32 $0x8000  }
0x1f: {  	[tilespmem:s1], [sflag:$0x2] =	stream.linear.gather [hbm4b:s25+s4], $0x8000, $0x38;
	[tilespmem:$0x18800] =	vst v63  }
0x20: {  	s26 =	rddreg [dreg:$0x6];
	s28 =	simm.s32 $0x18000  }
0x21: {  	[tilespmem:s28], [sflag:$0x5] =	stream.linear.gather [hbm4b:s26+s4], $0x400, $0x38;
	[tilespmem:$0x18800] =	vst v63  }
0x22: {  	s29 =	rddreg [dreg:$0x7];
	s30 =	simm.s32 $0x18400;
	s31 =	simm.s32 $0x5  }
0x23: {  	[tilespmem:s30], [sflag:$0x5] =	stream.linear.gather [hbm4b:s29+s4], $0x400, $0x38;
	[tilespmem:$0x18800] =	vst v63  }
0x24: {  	_ =	swait.ge [sflag:s31], $0x400  }
0x25: {  	[sflag:s31] =	ssyncset.done $0x0  }
0x26: {  	[sflag:s31] =	ssyncadd.s32 $0xFFFFFC00  }
0x27: {  	_ =	swait.ge [sflag:s31], $0x400  }
0x28: {  	[sflag:s31] =	ssyncset.done $0x0  }
0x29: {  	s25 =	simm.s32 $0x0;
	[sflag:s31] =	ssyncadd.s32 $0xFFFFFC00  }
.LBB2_2:
0x2a: {  	s0 =	simm.s32 $0x1  }
0x2b: {  	_ =	swait.ge [sflag:s0], $0x8000  }
0x2c: {  	[sflag:s0] =	ssyncset.done $0x0  }
0x2d: {  	s26 =	sshll.u32 s25, $0x5;
	[sflag:s0] =	ssyncadd.s32 $0xFFFF8000  }
0x2e: {  	p0 =	seq.s32 s25, $0x0;
	v0 =	vld [tilespmem:s26+$0x18000]  }
0x2f: {  	s0 =	simm.s32 @!p0 $0x3;
	v1 =	vld [tilespmem:s26+$0x18400]  }
0x30: {  	s1 =	simm.s32 $0x0;
	s2 =	simm.s32 $0x0;
	_ =	swait.ge @!p0 [sflag:s0], $0x4000  }
0x31: {  	s2 =	sand.u32 $0x60, s2;
	s3 =	sand.u32 $0x3C00, s1;
	[sflag:s0] =	ssyncset.done @!p0 $0x0  }
0x32: {  	s20 =	sor.u32 s2, s3;
	[sflag:s0] =	ssyncadd.s32 @!p0 $0xFFFFC000  }
0x33: {  	v4 =	vld [tilespmem:s20+$0x10]  }
0x34: {  	v5 =	vld [tilespmem:s20+$0x90];
	v0 =	vadd.f32 v1, v0  }
0x35: {  	v6 =	vld [tilespmem:s20+$0x110]  }
0x36: {  	v7 =	vld [tilespmem:s20+$0x190];
	v1 =	vbroadcast v0, $0x0  }
0x37: {  	v8 =	vld [tilespmem:s20+$0x210];
	v2 =	vbroadcast v0, $0x1  }
0x38: {  	v10 =	vld [tilespmem:s20+$0x290];
	v3 =	vbroadcast v0, $0x2;
	v9 =	vmul.f32 v4, v1  }
0x39: {  	v4 =	vbroadcast v0, $0x3;
	v11 =	vmul.f32 v5, v2  }
0x3a: {  	v5 =	vbroadcast v0, $0x4;
	[tilespmem:s20+$0x10010] =	vst v9;
	v9 =	vmul.f32 v6, v3  }
0x3b: {  	s1 =	sand.u32 $0x3, s1;
	v12 =	vld [tilespmem:s20+$0x0];
	v6 =	vbroadcast v0, $0x5;
	[tilespmem:s20+$0x10090] =	vst v11;
	v7 =	vmul.f32 v7, v4  }
0x3c: {  	s1 =	sshll.u32 s1, $0x5;
	v11 =	vld [tilespmem:s20+$0x80];
	v8 =	vmul.f32 v8, v5;
	[tilespmem:s20+$0x10110] =	vst v9  }
0x3d: {  	s21 =	sadd.s32 $0x0, s1;
	v9 =	vld [tilespmem:s20+$0x100];
	[tilespmem:s20+$0x10190] =	vst v7;
	v7 =	vmul.f32 v10, v6  }
0x3e: {  	s1 =	sadd.s32 $0x10, s21;
	v10 =	vld [tilespmem:s20+$0x180];
	[tilespmem:s20+$0x10210] =	vst v8  }
0x3f: {  	s22 =	simm.s32 $0x20;
	s6 =	simm.s32 $0x100;
	s7 =	sor.u32 $0x300, s1;
	v8 =	vld [tilespmem:s20+$0x200];
	[tilespmem:s20+$0x10290] =	vst v7  }
0x40: {  	s6 =	sand.u32 $0x3C00, s6;
	s2 =	sand.u32 $0x60, s22;
	v7 =	vmul.f32 v12, v1;
	v12 =	vld [tilespmem:s7+$0x0]  }
0x41: {  	s6 =	sor.u32 s2, s6;
	v13 =	vld [tilespmem:s20+$0x280];
	v11 =	vmul.f32 v11, v2  }
0x42: {  	v14 =	vld [tilespmem:s6+$0x10];
	[tilespmem:s20+$0x10000] =	vst v7;
	v9 =	vmul.f32 v9, v3  }
0x43: {  	v7 =	vbroadcast v0, $0x6;
	[tilespmem:s20+$0x10080] =	vst v11;
	v10 =	vmul.f32 v10, v4;
	v11 =	vld [tilespmem:s6+$0x90]  }
0x44: {  	v8 =	vmul.f32 v8, v5;
	[tilespmem:s20+$0x10100] =	vst v9;
	v9 =	vld [tilespmem:s6+$0x110]  }
0x45: {  	[tilespmem:s20+$0x10180] =	vst v10;
	v10 =	vld [tilespmem:s6+$0x190];
	v12 =	vmul.f32 v12, v7  }
0x46: {  	v15 =	vld [tilespmem:s6+$0x210];
	v13 =	vmul.f32 v13, v6;
	[tilespmem:s20+$0x10200] =	vst v8  }
0x47: {  	s23 =	sor.u32 $0x380, s1;
	v8 =	vmul.f32 v14, v1;
	v14 =	vld [tilespmem:s6+$0x290];
	[tilespmem:s7+$0x10000] =	vst v12  }
0x48: {  	[tilespmem:s20+$0x10280] =	vst v13;
	v11 =	vmul.f32 v11, v2;
	v12 =	vld [tilespmem:s23+$0x0]  }
0x49: {  	s24 =	simm.s32 $0x1;
	v13 =	vld [tilespmem:s6+$0x0];
	[tilespmem:s6+$0x10010] =	vst v8;
	v9 =	vmul.f32 v9, v3  }
0x4a: {  	s0 =	sand.u32 $0x3, s24;
	v16 =	vld [tilespmem:s6+$0x80];
	[tilespmem:s6+$0x10090] =	vst v11;
	v10 =	vmul.f32 v10, v4  }
0x4b: {  	s0 =	sshll.u32 s0, $0x5;
	v8 =	vbroadcast v0, $0x7;
	v11 =	vld [tilespmem:s6+$0x100];
	[tilespmem:s6+$0x10110] =	vst v9;
	v9 =	vmul.f32 v15, v5  }
0x4c: {  	s11 =	sadd.s32 $0x100, s0;
	v15 =	vld [tilespmem:s6+$0x180];
	[tilespmem:s6+$0x10190] =	vst v10;
	v10 =	vmul.f32 v14, v6  }
0x4d: {  	s8 =	sadd.s32 $0x10, s11;
	v14 =	vld [tilespmem:s6+$0x200];
	[tilespmem:s6+$0x10210] =	vst v9;
	v9 =	vmul.f32 v12, v8  }
0x4e: {  	s2 =	simm.s32 $0x200;
	s1 =	simm.s32 $0x40;
	s9 =	sor.u32 $0x300, s8;
	v12 =	vmul.f32 v13, v1;
	v13 =	vld [tilespmem:s6+$0x280];
	[tilespmem:s6+$0x10290] =	vst v10  }
0x4f: {  	s12 =	sor.u32 $0x300, s21;
	s29 =	sand.u32 $0x3C00, s2;
	s28 =	sand.u32 $0x60, s1;
	v10 =	vmul.f32 v16, v2;
	[tilespmem:s23+$0x10000] =	vst v9;
	v9 =	vld [tilespmem:s9+$0x0]  }
0x50: {  	s0 =	sor.u32 s28, s29;
	v16 =	vld [tilespmem:s12+$0x0];
	v11 =	vmul.f32 v11, v3;
	[tilespmem:s6+$0x10000] =	vst v12  }
0x51: {  	[tilespmem:s6+$0x10080] =	vst v10;
	v12 =	vld [tilespmem:s0+$0x10];
	v10 =	vmul.f32 v15, v4  }
0x52: {  	[tilespmem:s6+$0x10100] =	vst v11;
	v11 =	vmul.f32 v14, v5;
	v14 =	vld [tilespmem:s0+$0x90]  }
0x53: {  	[tilespmem:s6+$0x10180] =	vst v10;
	v10 =	vmul.f32 v13, v6;
	v13 =	vld [tilespmem:s0+$0x110]  }
0x54: {  	[tilespmem:s6+$0x10200] =	vst v11;
	v11 =	vld [tilespmem:s0+$0x190];
	v9 =	vmul.f32 v9, v7  }
0x55: {  	v15 =	vmul.f32 v16, v7;
	v16 =	vld [tilespmem:s0+$0x210];
	[tilespmem:s6+$0x10280] =	vst v10  }
0x56: {  	v10 =	vmul.f32 v12, v1;
	v12 =	vld [tilespmem:s0+$0x290];
	[tilespmem:s9+$0x10000] =	vst v9;
	s9 =	sor.u32 $0x380, s8  }
0x57: {  	[tilespmem:s12+$0x10000] =	vst v15;
	v14 =	vmul.f32 v14, v2;
	v15 =	vld [tilespmem:s9+$0x0]  }
0x58: {  	v17 =	vld [tilespmem:s0+$0x0];
	[tilespmem:s0+$0x10010] =	vst v10;
	v13 =	vmul.f32 v13, v3  }
0x59: {  	v9 =	vld [tilespmem:s0+$0x80];
	s8 =	simm.s32 $0x2;
	[tilespmem:s0+$0x10090] =	vst v14;
	v14 =	vmul.f32 v11, v4  }
0x5a: {  	v10 =	vld [tilespmem:s0+$0x100];
	s30 =	sand.u32 $0x3, s8;
	v16 =	vmul.f32 v16, v5;
	[tilespmem:s0+$0x10110] =	vst v13  }
0x5b: {  	s3 =	sor.u32 $0x380, s21;
	v11 =	vld [tilespmem:s0+$0x180];
	s31 =	sshll.u32 s30, $0x5;
	[tilespmem:s0+$0x10190] =	vst v14;
	v18 =	vmul.f32 v12, v6  }
0x5c: {  	s7 =	sor.u32 $0x300, s11;
	s6 =	sor.u32 $0x380, s11;
	s13 =	sadd.s32 $0x200, s31;
	v13 =	vld [tilespmem:s0+$0x200];
	[tilespmem:s0+$0x10210] =	vst v16;
	v12 =	vmul.f32 v15, v8  }
0x5d: {  	v14 =	vld [tilespmem:s0+$0x280];
	s12 =	sor.u32 $0x300, s13;
	s11 =	sor.u32 $0x380, s13;
	s13 =	sadd.s32 $0x10, s13;
	[tilespmem:s0+$0x10290] =	vst v18;
	v15 =	vmul.f32 v17, v1  }
.LBB2_3:
0x5e: {  	s1 =	sadd.s32 $0x20, s1;
	v9 =	vmul.f32 v9, v2;
	s14 =	sor.u32 $0x300, s13;
	s2 =	sadd.s32 $0x100, s2;
	v16 =	vld [tilespmem:s7+$0x0];
	[tilespmem:s9+$0x10000] =	vst v12  }
0x5f: {  	s9 =	sand.u32 $0x60, s1;
	s15 =	sand.u32 $0x3C00, s2;
	[tilespmem:s0+$0x10000] =	vst v15;
	v10 =	vmul.f32 v10, v3;
	v12 =	vld [tilespmem:s14+$0x0]  }
0x60: {  	s9 =	sor.u32 s9, s15;
	[tilespmem:s0+$0x10080] =	vst v9;
	v9 =	vmul.f32 v11, v4;
	v11 =	vld [tilespmem:s3+$0x0]  }
0x61: {  	v15 =	vld [tilespmem:s9+$0x10];
	[tilespmem:s0+$0x10100] =	vst v10;
	v10 =	vmul.f32 v13, v5  }
0x62: {  	v13 =	vld [tilespmem:s9+$0x90];
	[tilespmem:s0+$0x10180] =	vst v9;
	v9 =	vmul.f32 v14, v6  }
0x63: {  	v14 =	vld [tilespmem:s9+$0x110];
	[tilespmem:s0+$0x10200] =	vst v10;
	v10 =	vmul.f32 v16, v7  }
0x64: {  	p1 =	slt.u32 s1, $0x7E0;
	v16 =	vld [tilespmem:s9+$0x190];
	[tilespmem:s0+$0x10280] =	vst v9;
	v9 =	vmul.f32 v12, v7;
	s0 =	smov.u32 s9  }
0x65: {  	v12 =	vld [tilespmem:s0+$0x210];
	[tilespmem:s7+$0x10000] =	vst v10;
	v10 =	vmul.f32 v11, v8;
	s7 =	smov.u32 s12  }
0x66: {  	s9 =	sor.u32 $0x380, s13;
	v11 =	vmul.f32 v15, v1;
	v15 =	vld [tilespmem:s0+$0x290];
	[tilespmem:s14+$0x10000] =	vst v9  }
0x67: {  	v13 =	vmul.f32 v13, v2;
	v17 =	vld [tilespmem:s9+$0x0];
	[tilespmem:s3+$0x10000] =	vst v10;
	s3 =	smov.u32 s6;
	s6 =	smov.u32 s11  }
0x68: {  	v18 =	vld [tilespmem:s0+$0x0];
	[tilespmem:s0+$0x10010] =	vst v11;
	v11 =	vmul.f32 v14, v3  }
.Ltmp2:
0x69: {  	s8 =	sadd.s32 $0x1, s8;
	v9 =	vld [tilespmem:s0+$0x80];
	[tilespmem:s0+$0x10090] =	vst v13;
	v13 =	vmul.f32 v16, v4;
	(pc) =	sbr.rel @p1 .LBB2_3-.Ltmp2, $4  }
0x6a: {  	s11 =	sand.u32 $0x3, s8;
	v10 =	vld [tilespmem:s0+$0x100];
	[tilespmem:s0+$0x10110] =	vst v11;
	v12 =	vmul.f32 v12, v5  }
0x6b: {  	s11 =	sshll.u32 s11, $0x5;
	v11 =	vld [tilespmem:s0+$0x180];
	[tilespmem:s0+$0x10190] =	vst v13;
	v16 =	vmul.f32 v15, v6  }
0x6c: {  	s13 =	sadd.s32 s11, s2;
	v13 =	vld [tilespmem:s0+$0x200];
	[tilespmem:s0+$0x10210] =	vst v12;
	v12 =	vmul.f32 v17, v8  }
0x6d: {  	s12 =	sor.u32 $0x300, s13;
	s11 =	sor.u32 $0x380, s13;
	s13 =	sadd.s32 $0x10, s13;
	v15 =	vmul.f32 v18, v1;
	v14 =	vld [tilespmem:s0+$0x280];
	[tilespmem:s0+$0x10290] =	vst v16  }
0x6e: {  	v1 =	vmul.f32 v9, v2  }
0x6f: {  	[tilespmem:s0+$0x10000] =	vst v15;
	v2 =	vmul.f32 v10, v3  }
0x70: {  	[tilespmem:s0+$0x10080] =	vst v1;
	v1 =	vmul.f32 v11, v4  }
0x71: {  	[tilespmem:s0+$0x10100] =	vst v2;
	v2 =	vmul.f32 v13, v5  }
0x72: {  	s1 =	sor.u32 $0x300, s13;
	[tilespmem:s0+$0x10180] =	vst v1;
	v1 =	vmul.f32 v14, v6  }
0x73: {  	v3 =	vld [tilespmem:s1+$0x0];
	[tilespmem:s0+$0x10200] =	vst v2  }
0x74: {  	v2 =	vld [tilespmem:s7+$0x0];
	[tilespmem:s0+$0x10280] =	vst v1  }
0x75: {  	v1 =	vld [tilespmem:s12+$0x0];
	_ =	sdelay $0x2  }
0x76: {  	v3 =	vmul.f32 v3, v7  }
0x77: {  	v2 =	vmul.f32 v2, v7  }
0x78: {  	[tilespmem:s1+$0x10000] =	vst v3;
	v1 =	vmul.f32 v1, v7  }
0x79: {  	s8 =	sor.u32 $0x380, s13;
	v4 =	vld [tilespmem:s3+$0x0];
	[tilespmem:s7+$0x10000] =	vst v2  }
0x7a: {  	v2 =	vld [tilespmem:s8+$0x0];
	[tilespmem:s12+$0x10000] =	vst v1  }
0x7b: {  	v1 =	vld [tilespmem:s11+$0x0]  }
0x7c: {  	v3 =	vld [tilespmem:s6+$0x0];
	_ =	sdelay $0x1  }
0x7d: {  	v4 =	vmul.f32 v4, v8  }
0x7e: {  	[tilespmem:s9+$0x10000] =	vst v12;
	v2 =	vmul.f32 v2, v8  }
0x7f: {  	[tilespmem:s3+$0x10000] =	vst v4;
	v1 =	vmul.f32 v1, v8  }
0x80: {  	s9 =	sor.u32 s5, s26;
	v3 =	vmul.f32 v3, v8;
	[tilespmem:s8+$0x10000] =	vst v2  }
0x81: {  	s28 =	sshll.u32 s9, $0x8;
	[tilespmem:s11+$0x10000] =	vst v1;
	s11 =	rddreg [dreg:$0x2]  }
0x82: {  	s12 =	simm.s32 $0x10000;
	[tilespmem:s6+$0x10000] =	vst v3;
	s0 =	sadd.s32 s11, s28  }
0x83: {  	[hbm4b:s0+s4] =	stream.linear.scatter [tilespmem:s12], [sflag:$0x3], $0x4000, $0x38;
	[tilespmem:$0x18800] =	vst v63  }
0x84: {  	s29 =	simm.s32 $0x0;
	s13 =	simm.s32 $0x0;
	s0 =	simm.s32 @!p0 $0x4  }
0x85: {  	s31 =	sand.u32 $0x60, s13;
	s12 =	sand.u32 $0x3C00, s29;
	_ =	swait.ge @!p0 [sflag:s0], $0x4000  }
0x86: {  	s16 =	sor.u32 $0x10, s31;
	s14 =	sor.u32 $0x4000, s12;
	[sflag:s0] =	ssyncset.done @!p0 $0x0  }
0x87: {  	s15 =	sor.u32 s16, s14;
	[sflag:s0] =	ssyncadd.s32 @!p0 $0xFFFFC000  }
0x88: {  	v2 =	vld [tilespmem:s15+$0x0]  }
0x89: {  	s17 =	sor.u32 s31, s14  }
0x8a: {  	v3 =	vld [tilespmem:s17+$0x0]  }
0x8b: {  	v1 =	vbroadcast v0, $0x8;
	_ =	sdelay $0x1  }
0x8c: {  	s18 =	sor.u32 $0x14000, s12;
	v2 =	vmul.f32 v2, v1  }
0x8d: {  	s19 =	sor.u32 $0x4080, s12;
	s11 =	sor.u32 s16, s18  }
0x8e: {  	s2 =	sor.u32 s16, s19;
	v3 =	vmul.f32 v3, v1;
	[tilespmem:s11+$0x0] =	vst v2  }
0x8f: {  	s3 =	sor.u32 s31, s18;
	v4 =	vld [tilespmem:s2+$0x0]  }
0x90: {  	s20 =	sor.u32 s31, s19;
	[tilespmem:s3+$0x0] =	vst v3  }
0x91: {  	v3 =	vld [tilespmem:s20+$0x0]  }
0x92: {  	v2 =	vbroadcast v0, $0x9;
	_ =	sdelay $0x1  }
0x93: {  	v4 =	vmul.f32 v4, v2  }
0x94: {  	s21 =	sor.u32 $0x4100, s12  }
0x95: {  	s22 =	sor.u32 s16, s21;
	v5 =	vmul.f32 v3, v2;
	[tilespmem:s11+$0x80] =	vst v4  }
0x96: {  	s23 =	simm.s32 $0x20;
	s15 =	simm.s32 $0x100;
	v4 =	vld [tilespmem:s22+$0x0]  }
0x97: {  	s30 =	sand.u32 $0x60, s23;
	s1 =	sor.u32 s31, s21;
	s0 =	sand.u32 $0x3C00, s15;
	[tilespmem:s3+$0x80] =	vst v5  }
0x98: {  	s24 =	sor.u32 $0x4000, s0;
	s2 =	sor.u32 $0x10, s30;
	v5 =	vld [tilespmem:s1+$0x0]  }
0x99: {  	s7 =	sor.u32 s2, s24;
	v3 =	vbroadcast v0, $0xA  }
0x9a: {  	s6 =	sor.u32 s30, s24;
	v6 =	vld [tilespmem:s7+$0x0]  }
0x9b: {  	v7 =	vld [tilespmem:s6+$0x0];
	v4 =	vmul.f32 v4, v3  }
0x9c: {  	s8 =	sor.u32 $0x4180, s12  }
0x9d: {  	s9 =	sor.u32 s16, s8;
	v5 =	vmul.f32 v5, v3;
	[tilespmem:s11+$0x100] =	vst v4  }
0x9e: {  	v8 =	vld [tilespmem:s9+$0x0]  }
0x9f: {  	s13 =	sor.u32 $0x14000, s0;
	v6 =	vmul.f32 v6, v1;
	s1 =	sor.u32 s31, s8;
	[tilespmem:s3+$0x100] =	vst v5  }
0xa0: {  	s6 =	sor.u32 s2, s13;
	s8 =	sor.u32 $0x4080, s0;
	v5 =	vmul.f32 v7, v1;
	v7 =	vld [tilespmem:s1+$0x0]  }
0xa1: {  	s13 =	sor.u32 s30, s13;
	[tilespmem:s6+$0x0] =	vst v6;
	s14 =	sor.u32 s2, s8;
	v4 =	vbroadcast v0, $0xB  }
0xa2: {  	s17 =	sor.u32 s30, s8;
	v6 =	vld [tilespmem:s14+$0x0];
	[tilespmem:s13+$0x0] =	vst v5  }
0xa3: {  	v5 =	vmul.f32 v8, v4;
	v8 =	vld [tilespmem:s17+$0x0]  }
0xa4: {  	s18 =	sor.u32 $0x4200, s12  }
0xa5: {  	s19 =	sor.u32 s16, s18;
	v7 =	vmul.f32 v7, v4;
	[tilespmem:s11+$0x180] =	vst v5  }
0xa6: {  	v9 =	vld [tilespmem:s19+$0x0]  }
0xa7: {  	s20 =	sor.u32 s31, s18;
	v6 =	vmul.f32 v6, v2;
	[tilespmem:s3+$0x180] =	vst v7  }
0xa8: {  	s21 =	sor.u32 $0x4100, s0;
	v7 =	vmul.f32 v8, v2;
	v8 =	vld [tilespmem:s20+$0x0]  }
0xa9: {  	s14 =	simm.s32 $0x40;
	s1 =	simm.s32 $0x200;
	[tilespmem:s6+$0x80] =	vst v6;
	s17 =	sor.u32 s2, s21;
	v5 =	vbroadcast v0, $0xC  }
0xaa: {  	s22 =	sor.u32 s30, s21;
	s7 =	sand.u32 $0x60, s14;
	s9 =	sand.u32 $0x3C00, s1;
	v6 =	vld [tilespmem:s17+$0x0];
	[tilespmem:s13+$0x80] =	vst v7  }
0xab: {  	s8 =	sor.u32 $0x10, s7;
	s18 =	sor.u32 $0x4000, s9;
	v7 =	vmul.f32 v9, v5;
	v9 =	vld [tilespmem:s22+$0x0]  }
0xac: {  	s23 =	sor.u32 s8, s18;
	s19 =	sor.u32 $0x4280, s12  }
0xad: {  	v10 =	vld [tilespmem:s23+$0x0];
	s24 =	sor.u32 s16, s19;
	[tilespmem:s11+$0x200] =	vst v7;
	v8 =	vmul.f32 v8, v5  }
0xae: {  	s18 =	sor.u32 s7, s18;
	v7 =	vld [tilespmem:s24+$0x0]  }
0xaf: {  	v11 =	vld [tilespmem:s18+$0x0];
	s19 =	sor.u32 s31, s19;
	v12 =	vmul.f32 v6, v3;
	[tilespmem:s3+$0x200] =	vst v8  }
0xb0: {  	s20 =	sor.u32 $0x4180, s0;
	v8 =	vmul.f32 v9, v3;
	v9 =	vld [tilespmem:s19+$0x0]  }
0xb1: {  	v6 =	vbroadcast v0, $0xD;
	s21 =	sor.u32 s2, s20;
	[tilespmem:s6+$0x100] =	vst v12  }
0xb2: {  	v10 =	vmul.f32 v10, v1;
	s18 =	sor.u32 s30, s20;
	s22 =	sor.u32 $0x14000, s9;
	[tilespmem:s13+$0x100] =	vst v8;
	v8 =	vld [tilespmem:s21+$0x0]  }
0xb3: {  	s20 =	sor.u32 $0x4080, s9;
	s17 =	sor.u32 s8, s22;
	v7 =	vmul.f32 v7, v6;
	v12 =	vld [tilespmem:s18+$0x0]  }
0xb4: {  	v11 =	vmul.f32 v11, v1;
	s23 =	sor.u32 s8, s20;
	[tilespmem:s17+$0x0] =	vst v10;
	s21 =	sor.u32 $0x4300, s12  }
0xb5: {  	s24 =	sor.u32 s7, s22;
	v10 =	vld [tilespmem:s23+$0x0];
	s19 =	sor.u32 s16, s21;
	[tilespmem:s11+$0x280] =	vst v7;
	v7 =	vmul.f32 v9, v6  }
0xb6: {  	s22 =	sor.u32 s7, s20;
	[tilespmem:s24+$0x0] =	vst v11;
	v13 =	vld [tilespmem:s19+$0x0]  }
0xb7: {  	v14 =	vld [tilespmem:s22+$0x0];
	s21 =	sor.u32 s31, s21;
	v9 =	vmul.f32 v8, v4;
	[tilespmem:s3+$0x280] =	vst v7  }
0xb8: {  	s23 =	sor.u32 $0x4200, s0;
	s19 =	sand.u32 $0x3, s29;
	v11 =	vmul.f32 v12, v4;
	v8 =	vld [tilespmem:s21+$0x0]  }
0xb9: {  	s20 =	sor.u32 s30, s23;
	s23 =	sor.u32 s2, s23;
	s22 =	sshll.u32 s19, $0x5;
	v7 =	vbroadcast v0, $0xE;
	[tilespmem:s6+$0x180] =	vst v9  }
0xba: {  	v15 =	vmul.f32 v10, v2;
	s11 =	sadd.s32 $0x0, s22;
	s21 =	sor.u32 $0x4100, s9;
	[tilespmem:s13+$0x180] =	vst v11;
	v10 =	vld [tilespmem:s23+$0x0]  }
0xbb: {  	s19 =	sor.u32 $0x300, s11;
	s3 =	sadd.s32 $0x10, s11;
	s22 =	sor.u32 s8, s21;
	v11 =	vld [tilespmem:s20+$0x0];
	v9 =	vmul.f32 v13, v7  }
0xbc: {  	[tilespmem:s17+$0x80] =	vst v15;
	v0 =	vbroadcast v0, $0xF;
	v12 =	vmul.f32 v14, v2;
	s18 =	sor.u32 $0x300, s3;
	s20 =	sor.u32 $0x4380, s12;
	s12 =	simm.s32 $0x200  }
.LBB2_5:
0xbd: {  	s14 =	sadd.s32 $0x20, s14;
	v13 =	vld [tilespmem:s22+$0x0];
	s1 =	sadd.s32 $0x100, s1;
	v8 =	vmul.f32 v8, v7;
	[tilespmem:s18+$0x14000] =	vst v9;
	s16 =	sor.u32 s16, s20  }
0xbe: {  	s21 =	sor.u32 s7, s21;
	s18 =	sand.u32 $0x60, s14;
	s22 =	sand.u32 $0x3C00, s1;
	[tilespmem:s24+$0x80] =	vst v12;
	v9 =	vld [tilespmem:s16+$0x0]  }
0xbf: {  	s16 =	sor.u32 $0x4000, s22;
	s23 =	sor.u32 $0x10, s18;
	v12 =	vld [tilespmem:s21+$0x0];
	v10 =	vmul.f32 v10, v5;
	[tilespmem:s19+$0x14000] =	vst v8;
	s19 =	sor.u32 s31, s20  }
0xc0: {  	s21 =	sor.u32 $0x4280, s0;
	s20 =	sor.u32 s18, s16;
	s16 =	sor.u32 s23, s16;
	v8 =	vmul.f32 v11, v5;
	v11 =	vld [tilespmem:s19+$0x0]  }
0xc1: {  	s11 =	sor.u32 $0x380, s11;
	s19 =	sor.u32 s2, s21;
	v14 =	vld [tilespmem:s16+$0x0];
	s16 =	sor.u32 s30, s21;
	[tilespmem:s6+$0x200] =	vst v10  }
0xc2: {  	p0 =	slt.u32 s14, $0x7E0;
	s31 =	smov.u32 s30;
	s30 =	smov.u32 s7;
	v10 =	vmul.f32 v13, v3;
	[tilespmem:s13+$0x200] =	vst v8;
	v8 =	vld [tilespmem:s19+$0x0]  }
0xc3: {  	s7 =	smov.u32 s18;
	v13 =	vld [tilespmem:s20+$0x0];
	v9 =	vmul.f32 v9, v0;
	s20 =	smov.u32 s0;
	s0 =	smov.u32 s9  }
0xc4: {  	s3 =	sor.u32 $0x380, s3;
	s9 =	smov.u32 s22;
	v12 =	vmul.f32 v12, v3;
	s18 =	sor.u32 $0x4180, s0;
	[tilespmem:s17+$0x100] =	vst v10;
	v10 =	vld [tilespmem:s16+$0x0]  }
0xc5: {  	s16 =	smov.u32 s2;
	s19 =	sor.u32 s30, s18;
	s18 =	sor.u32 s8, s18;
	v11 =	vmul.f32 v11, v0;
	[tilespmem:s3+$0x14000] =	vst v9  }
0xc6: {  	s2 =	smov.u32 s8;
	s3 =	sor.u32 $0x14000, s9;
	s8 =	smov.u32 s23;
	v9 =	vmul.f32 v14, v1;
	[tilespmem:s24+$0x100] =	vst v12;
	v12 =	vld [tilespmem:s18+$0x0]  }
0xc7: {  	s21 =	sor.u32 $0x4080, s9;
	s18 =	sor.u32 s7, s3;
	s3 =	sor.u32 s8, s3;
	v14 =	vld [tilespmem:s19+$0x0];
	v8 =	vmul.f32 v8, v6;
	[tilespmem:s11+$0x14000] =	vst v11  }
0xc8: {  	s11 =	sor.u32 s7, s21;
	s19 =	sor.u32 s8, s21;
	s21 =	sor.u32 $0x4300, s20;
	v11 =	vmul.f32 v13, v1;
	[tilespmem:s3+$0x0] =	vst v9  }
0xc9: {  	v9 =	vld [tilespmem:s19+$0x0];
	v10 =	vmul.f32 v10, v6;
	s19 =	sor.u32 s31, s21;
	[tilespmem:s6+$0x280] =	vst v8;
	s21 =	sor.u32 s16, s21;
	s6 =	smov.u32 s17  }
0xca: {  	s17 =	smov.u32 s3;
	[tilespmem:s18+$0x0] =	vst v11;
	v13 =	vld [tilespmem:s21+$0x0]  }
0xcb: {  	s29 =	sadd.s32 $0x1, s29;
	v15 =	vld [tilespmem:s11+$0x0];
	v11 =	vmul.f32 v12, v4;
	[tilespmem:s13+$0x280] =	vst v10;
	s13 =	smov.u32 s24;
	s24 =	smov.u32 s18  }
.Ltmp3:
0xcc: {  	s3 =	sor.u32 $0x4200, s0;
	s11 =	sand.u32 $0x3, s29;
	v10 =	vmul.f32 v14, v4;
	v8 =	vld [tilespmem:s19+$0x0];
	(pc) =	sbr.rel @p0 .LBB2_5-.Ltmp3, $4  }
0xcd: {  	s18 =	sor.u32 s30, s3;
	s3 =	sor.u32 s2, s3;
	s11 =	sshll.u32 s11, $0x5;
	[tilespmem:s6+$0x180] =	vst v11  }
0xce: {  	s11 =	sadd.s32 s11, s15;
	s15 =	smov.u32 s12;
	s12 =	smov.u32 s1;
	v14 =	vmul.f32 v9, v2;
	[tilespmem:s13+$0x180] =	vst v10;
	v10 =	vld [tilespmem:s3+$0x0]  }
0xcf: {  	s21 =	sor.u32 $0x4100, s9;
	s19 =	sor.u32 $0x300, s11;
	s3 =	sadd.s32 $0x10, s11;
	v11 =	vld [tilespmem:s18+$0x0];
	v9 =	vmul.f32 v13, v7  }
0xd0: {  	s20 =	sor.u32 $0x4380, s20;
	s22 =	sor.u32 s8, s21;
	s18 =	sor.u32 $0x300, s3;
	v12 =	vmul.f32 v15, v2;
	[tilespmem:s17+$0x80] =	vst v14  }
0xd1: {  	_ = 	snop  }
0xd2: {  	v1 =	vld [tilespmem:s22+$0x0];
	s1 =	sor.u32 s7, s21;
	[tilespmem:s24+$0x80] =	vst v12  }
0xd3: {  	v2 =	vld [tilespmem:s1+$0x0];
	_ =	sdelay $0x3  }
0xd4: {  	v1 =	vmul.f32 v1, v3  }
0xd5: {  	s21 =	sor.u32 $0x4180, s9;
	v2 =	vmul.f32 v2, v3  }
0xd6: {  	s14 =	sor.u32 s8, s21;
	[tilespmem:s17+$0x100] =	vst v1  }
0xd7: {  	s1 =	sor.u32 s7, s21;
	v1 =	vld [tilespmem:s14+$0x0];
	[tilespmem:s24+$0x100] =	vst v2  }
0xd8: {  	v2 =	vld [tilespmem:s1+$0x0];
	_ =	sdelay $0x3  }
0xd9: {  	v1 =	vmul.f32 v1, v4  }
0xda: {  	s22 =	sor.u32 $0x4200, s9;
	v2 =	vmul.f32 v2, v4  }
0xdb: {  	s23 =	sor.u32 s8, s22;
	[tilespmem:s17+$0x180] =	vst v1  }
0xdc: {  	s1 =	sor.u32 s7, s22;
	v1 =	vld [tilespmem:s23+$0x0];
	[tilespmem:s24+$0x180] =	vst v2  }
0xdd: {  	v2 =	vld [tilespmem:s1+$0x0];
	_ =	sdelay $0x1  }
0xde: {  	v3 =	vmul.f32 v10, v5  }
0xdf: {  	s14 =	sor.u32 $0x4280, s0;
	v4 =	vmul.f32 v11, v5  }
0xe0: {  	[tilespmem:s6+$0x200] =	vst v3;
	s21 =	sor.u32 s2, s14;
	v1 =	vmul.f32 v1, v5  }
0xe1: {  	v3 =	vld [tilespmem:s21+$0x0];
	s22 =	sor.u32 $0x4280, s9;
	[tilespmem:s13+$0x200] =	vst v4;
	s1 =	sor.u32 s30, s14;
	v2 =	vmul.f32 v2, v5  }
0xe2: {  	s23 =	sor.u32 s8, s22;
	v4 =	vld [tilespmem:s1+$0x0];
	[tilespmem:s17+$0x200] =	vst v1  }
0xe3: {  	s14 =	sor.u32 s7, s22;
	v1 =	vld [tilespmem:s23+$0x0];
	[tilespmem:s24+$0x200] =	vst v2  }
0xe4: {  	v2 =	vld [tilespmem:s14+$0x0];
	_ =	sdelay $0x1  }
0xe5: {  	v3 =	vmul.f32 v3, v6  }
0xe6: {  	s21 =	sor.u32 $0x4300, s0;
	v4 =	vmul.f32 v4, v6  }
0xe7: {  	[tilespmem:s6+$0x280] =	vst v3;
	s22 =	sor.u32 s2, s21;
	v1 =	vmul.f32 v1, v6  }
0xe8: {  	v3 =	vld [tilespmem:s22+$0x0];
	s1 =	sor.u32 s30, s21;
	s23 =	sor.u32 $0x4300, s9;
	[tilespmem:s13+$0x280] =	vst v4;
	v2 =	vmul.f32 v2, v6  }
0xe9: {  	s21 =	sor.u32 s8, s23;
	s14 =	sadd.s32 $0x1, s29;
	v4 =	vld [tilespmem:s1+$0x0];
	[tilespmem:s17+$0x280] =	vst v1  }
0xea: {  	s6 =	sor.u32 s7, s23;
	s22 =	sand.u32 $0x3, s14;
	v1 =	vld [tilespmem:s21+$0x0];
	[tilespmem:s24+$0x280] =	vst v2  }
0xeb: {  	s1 =	sadd.s32 $0x1, s14;
	s23 =	sshll.u32 s22, $0x5;
	v2 =	vld [tilespmem:s6+$0x0]  }
0xec: {  	v5 =	vmul.f32 v8, v7;
	s29 =	sor.u32 s31, s20;
	s1 =	sand.u32 $0x3, s1;
	s6 =	sadd.s32 s23, s15  }
0xed: {  	[tilespmem:s18+$0x14000] =	vst v9;
	v3 =	vmul.f32 v3, v7;
	s1 =	sshll.u32 s1, $0x5;
	s24 =	sor.u32 s16, s20;
	s15 =	sadd.s32 $0x10, s6  }
0xee: {  	[tilespmem:s19+$0x14000] =	vst v5;
	s31 =	sor.u32 $0x4380, s0;
	s1 =	sadd.s32 s1, s12;
	v4 =	vmul.f32 v4, v7;
	v6 =	vld [tilespmem:s24+$0x0];
	s13 =	sor.u32 $0x300, s15  }
0xef: {  	v5 =	vld [tilespmem:s29+$0x0];
	s17 =	sor.u32 s2, s31;
	s18 =	sadd.s32 $0x10, s1;
	s16 =	sor.u32 $0x300, s6;
	[tilespmem:s13+$0x14000] =	vst v3;
	v1 =	vmul.f32 v1, v7  }
0xf0: {  	s19 =	sor.u32 $0x4380, s9;
	s0 =	sor.u32 s30, s31;
	s20 =	sor.u32 $0x300, s18;
	[tilespmem:s16+$0x14000] =	vst v4;
	v3 =	vld [tilespmem:s17+$0x0];
	v2 =	vmul.f32 v2, v7  }
0xf1: {  	s22 =	sor.u32 s8, s19;
	s21 =	sor.u32 $0x300, s1;
	v4 =	vld [tilespmem:s0+$0x0];
	[tilespmem:s20+$0x14000] =	vst v1  }
0xf2: {  	s23 =	sor.u32 s7, s19;
	v1 =	vld [tilespmem:s22+$0x0];
	[tilespmem:s21+$0x14000] =	vst v2  }
0xf3: {  	v2 =	vmul.f32 v6, v0;
	v6 =	vld [tilespmem:s23+$0x0]  }
0xf4: {  	v5 =	vmul.f32 v5, v0;
	s24 =	sor.u32 $0x380, s3  }
0xf5: {  	s29 =	sor.u32 $0x380, s11;
	[tilespmem:s24+$0x14000] =	vst v2;
	v2 =	vmul.f32 v3, v0  }
0xf6: {  	[tilespmem:s29+$0x14000] =	vst v5;
	s30 =	sor.u32 $0x380, s15;
	v3 =	vmul.f32 v4, v0  }
0xf7: {  	s31 =	sor.u32 $0x380, s6;
	[tilespmem:s30+$0x14000] =	vst v2;
	v1 =	vmul.f32 v1, v0  }
0xf8: {  	s3 =	sor.u32 $0x380, s18;
	[tilespmem:s31+$0x14000] =	vst v3;
	v0 =	vmul.f32 v6, v0  }
0xf9: {  	s1 =	sor.u32 $0x380, s1;
	[tilespmem:s3+$0x14000] =	vst v1  }
0xfa: {  	s7 =	simm.s32 $0x14000;
	s6 =	sadd.s32 s28, s10;
	[tilespmem:s1+$0x14000] =	vst v0  }
0xfb: {  	[hbm4b:s6+s4] =	stream.linear.scatter [tilespmem:s7], [sflag:$0x4], $0x4000, $0x38;
	[tilespmem:$0x18800] =	vst v63  }
0xfc: {  	p0 =	seq.s32 s25, $0x1F;
	s0 =	rddreg [dreg:$0x8]  }
0xfd: {  	s0 =	sadd.s32 @!p0 s26, s0  }
0xfe: {  	s1 =	rddreg [dreg:$0x0];
	s0 =	sshll.u32 @!p0 s0, $0x8  }
0xff: {  	s8 =	simm.s32 $0x2;
	s0 =	sadd.s32 @!p0 s1, s0;
	s1 =	simm.s32 @!p0 $0x0  }
0x100: {  	[tilespmem:s1], [sflag:$0x1] =	stream.linear.gather @!p0 [hbm4b:s0+s1], $0x8000, $0x38;
	[tilespmem:$0x18800] =	vst v63  }
0x101: {  	_ =	swait.ge [sflag:s8], $0x8000  }
0x102: {  	[sflag:s8] =	ssyncset.done $0x0  }
0x103: {  	[sflag:s8] =	ssyncadd.s32 $0xFFFF8000  }
0x104: {  	v0 =	vld [tilespmem:s26+$0x18010]  }
0x105: {  	s9 =	simm.s32 $0x3;
	v1 =	vld [tilespmem:s26+$0x18410]  }
0x106: {  	s11 =	simm.s32 $0x0;
	s12 =	simm.s32 $0x0;
	_ =	swait.ge [sflag:s9], $0x4000  }
0x107: {  	s13 =	sand.u32 $0x3C00, s11;
	s0 =	sand.u32 $0x60, s12;
	[sflag:s9] =	ssyncset.done $0x0  }
0x108: {  	s0 =	sor.u32 s0, s13;
	[sflag:s9] =	ssyncadd.s32 $0xFFFFC000  }
0x109: {  	v4 =	vld [tilespmem:s0+$0x8010]  }
0x10a: {  	v5 =	vld [tilespmem:s0+$0x8090];
	v0 =	vadd.f32 v1, v0  }
0x10b: {  	v6 =	vld [tilespmem:s0+$0x8110]  }
0x10c: {  	v7 =	vld [tilespmem:s0+$0x8190];
	v1 =	vbroadcast v0, $0x0  }
0x10d: {  	v8 =	vld [tilespmem:s0+$0x8210];
	v2 =	vbroadcast v0, $0x1  }
0x10e: {  	v10 =	vld [tilespmem:s0+$0x8290];
	v3 =	vbroadcast v0, $0x2;
	v9 =	vmul.f32 v4, v1  }
0x10f: {  	v4 =	vbroadcast v0, $0x3;
	v11 =	vmul.f32 v5, v2  }
0x110: {  	v5 =	vbroadcast v0, $0x4;
	[tilespmem:s0+$0x10010] =	vst v9;
	v9 =	vmul.f32 v6, v3  }
0x111: {  	s1 =	sand.u32 $0x3, s11;
	v12 =	vld [tilespmem:s0+$0x8000];
	v6 =	vbroadcast v0, $0x5;
	[tilespmem:s0+$0x10090] =	vst v11;
	v7 =	vmul.f32 v7, v4  }
0x112: {  	s1 =	sshll.u32 s1, $0x5;
	v11 =	vld [tilespmem:s0+$0x8080];
	v8 =	vmul.f32 v8, v5;
	[tilespmem:s0+$0x10110] =	vst v9  }
0x113: {  	s14 =	sadd.s32 $0x0, s1;
	v9 =	vld [tilespmem:s0+$0x8100];
	[tilespmem:s0+$0x10190] =	vst v7;
	v7 =	vmul.f32 v10, v6  }
0x114: {  	s1 =	sadd.s32 $0x10, s14;
	v10 =	vld [tilespmem:s0+$0x8180];
	[tilespmem:s0+$0x10210] =	vst v8  }
0x115: {  	s15 =	simm.s32 $0x20;
	s17 =	simm.s32 $0x100;
	s16 =	sor.u32 $0x300, s1;
	v8 =	vld [tilespmem:s0+$0x8200];
	[tilespmem:s0+$0x10290] =	vst v7  }
0x116: {  	s2 =	sand.u32 $0x60, s15;
	s3 =	sand.u32 $0x3C00, s17;
	v7 =	vmul.f32 v12, v1;
	v12 =	vld [tilespmem:s16+$0x8000]  }
0x117: {  	s3 =	sor.u32 s2, s3;
	v13 =	vld [tilespmem:s0+$0x8280];
	v11 =	vmul.f32 v11, v2  }
0x118: {  	v14 =	vld [tilespmem:s3+$0x8010];
	[tilespmem:s0+$0x10000] =	vst v7;
	v9 =	vmul.f32 v9, v3  }
0x119: {  	v7 =	vbroadcast v0, $0x6;
	[tilespmem:s0+$0x10080] =	vst v11;
	v10 =	vmul.f32 v10, v4;
	v11 =	vld [tilespmem:s3+$0x8090]  }
0x11a: {  	v8 =	vmul.f32 v8, v5;
	[tilespmem:s0+$0x10100] =	vst v9;
	v9 =	vld [tilespmem:s3+$0x8110]  }
0x11b: {  	[tilespmem:s0+$0x10180] =	vst v10;
	v10 =	vld [tilespmem:s3+$0x8190];
	v12 =	vmul.f32 v12, v7  }
0x11c: {  	v15 =	vld [tilespmem:s3+$0x8210];
	v13 =	vmul.f32 v13, v6;
	[tilespmem:s0+$0x10200] =	vst v8  }
0x11d: {  	s18 =	sor.u32 $0x380, s1;
	v8 =	vmul.f32 v14, v1;
	v14 =	vld [tilespmem:s3+$0x8290];
	[tilespmem:s16+$0x10000] =	vst v12  }
0x11e: {  	[tilespmem:s0+$0x10280] =	vst v13;
	v11 =	vmul.f32 v11, v2;
	v12 =	vld [tilespmem:s18+$0x8000]  }
0x11f: {  	s19 =	simm.s32 $0x1;
	v13 =	vld [tilespmem:s3+$0x8000];
	[tilespmem:s3+$0x10010] =	vst v8;
	v9 =	vmul.f32 v9, v3  }
0x120: {  	v16 =	vld [tilespmem:s3+$0x8080];
	s0 =	sand.u32 $0x3, s19;
	[tilespmem:s3+$0x10090] =	vst v11;
	v10 =	vmul.f32 v10, v4  }
0x121: {  	s0 =	sshll.u32 s0, $0x5;
	v8 =	vbroadcast v0, $0x7;
	v11 =	vld [tilespmem:s3+$0x8100];
	[tilespmem:s3+$0x10110] =	vst v9;
	v9 =	vmul.f32 v15, v5  }
0x122: {  	s20 =	sadd.s32 $0x100, s0;
	v15 =	vld [tilespmem:s3+$0x8180];
	[tilespmem:s3+$0x10190] =	vst v10;
	v10 =	vmul.f32 v14, v6  }
0x123: {  	s21 =	sadd.s32 $0x10, s20;
	v14 =	vld [tilespmem:s3+$0x8200];
	[tilespmem:s3+$0x10210] =	vst v9;
	v9 =	vmul.f32 v12, v8  }
0x124: {  	s2 =	simm.s32 $0x200;
	s1 =	simm.s32 $0x40;
	s22 =	sor.u32 $0x300, s21;
	v12 =	vmul.f32 v13, v1;
	v13 =	vld [tilespmem:s3+$0x8280];
	[tilespmem:s3+$0x10290] =	vst v10  }
0x125: {  	s28 =	sand.u32 $0x3C00, s2;
	s23 =	sor.u32 $0x300, s14;
	s24 =	sand.u32 $0x60, s1;
	v10 =	vmul.f32 v16, v2;
	[tilespmem:s18+$0x10000] =	vst v9;
	v9 =	vld [tilespmem:s22+$0x8000]  }
0x126: {  	s0 =	sor.u32 s24, s28;
	v16 =	vld [tilespmem:s23+$0x8000];
	v11 =	vmul.f32 v11, v3;
	[tilespmem:s3+$0x10000] =	vst v12  }
0x127: {  	[tilespmem:s3+$0x10080] =	vst v10;
	v12 =	vld [tilespmem:s0+$0x8010];
	v10 =	vmul.f32 v15, v4  }
0x128: {  	[tilespmem:s3+$0x10100] =	vst v11;
	v11 =	vmul.f32 v14, v5;
	v14 =	vld [tilespmem:s0+$0x8090]  }
0x129: {  	[tilespmem:s3+$0x10180] =	vst v10;
	v10 =	vmul.f32 v13, v6;
	v13 =	vld [tilespmem:s0+$0x8110]  }
0x12a: {  	[tilespmem:s3+$0x10200] =	vst v11;
	v11 =	vld [tilespmem:s0+$0x8190];
	v9 =	vmul.f32 v9, v7  }
0x12b: {  	v15 =	vmul.f32 v16, v7;
	v16 =	vld [tilespmem:s0+$0x8210];
	[tilespmem:s3+$0x10280] =	vst v10  }
0x12c: {  	s11 =	sor.u32 $0x380, s21;
	v10 =	vmul.f32 v12, v1;
	v12 =	vld [tilespmem:s0+$0x8290];
	[tilespmem:s22+$0x10000] =	vst v9  }
0x12d: {  	[tilespmem:s23+$0x10000] =	vst v15;
	v14 =	vmul.f32 v14, v2;
	v15 =	vld [tilespmem:s11+$0x8000]  }
0x12e: {  	s9 =	simm.s32 $0x2;
	v17 =	vld [tilespmem:s0+$0x8000];
	[tilespmem:s0+$0x10010] =	vst v10;
	v13 =	vmul.f32 v13, v3  }
0x12f: {  	s29 =	sand.u32 $0x3, s9;
	v9 =	vld [tilespmem:s0+$0x8080];
	[tilespmem:s0+$0x10090] =	vst v14;
	v14 =	vmul.f32 v11, v4  }
0x130: {  	s30 =	sshll.u32 s29, $0x5;
	v10 =	vld [tilespmem:s0+$0x8100];
	v16 =	vmul.f32 v16, v5;
	[tilespmem:s0+$0x10110] =	vst v13  }
0x131: {  	s6 =	sor.u32 $0x380, s14;
	s31 =	sadd.s32 $0x200, s30;
	v11 =	vld [tilespmem:s0+$0x8180];
	[tilespmem:s0+$0x10190] =	vst v14;
	v18 =	vmul.f32 v12, v6  }
0x132: {  	s13 =	sor.u32 $0x300, s31;
	s12 =	sor.u32 $0x380, s31;
	s14 =	sadd.s32 $0x10, s31;
	v13 =	vld [tilespmem:s0+$0x8200];
	[tilespmem:s0+$0x10210] =	vst v16;
	v12 =	vmul.f32 v15, v8  }
0x133: {  	s8 =	sor.u32 $0x300, s20;
	s7 =	sor.u32 $0x380, s20;
	s3 =	sor.u32 $0x10, s26;
	v14 =	vld [tilespmem:s0+$0x8280];
	[tilespmem:s0+$0x10290] =	vst v18;
	v15 =	vmul.f32 v17, v1  }
.LBB2_7:
0x134: {  	s1 =	sadd.s32 $0x20, s1;
	v9 =	vmul.f32 v9, v2;
	s15 =	sor.u32 $0x300, s14;
	s2 =	sadd.s32 $0x100, s2;
	v16 =	vld [tilespmem:s8+$0x8000];
	[tilespmem:s11+$0x10000] =	vst v12  }
0x135: {  	s11 =	sand.u32 $0x60, s1;
	s16 =	sand.u32 $0x3C00, s2;
	[tilespmem:s0+$0x10000] =	vst v15;
	v10 =	vmul.f32 v10, v3;
	v12 =	vld [tilespmem:s15+$0x8000]  }
0x136: {  	s11 =	sor.u32 s11, s16;
	[tilespmem:s0+$0x10080] =	vst v9;
	v9 =	vmul.f32 v11, v4;
	v11 =	vld [tilespmem:s6+$0x8000]  }
0x137: {  	v15 =	vld [tilespmem:s11+$0x8010];
	[tilespmem:s0+$0x10100] =	vst v10;
	v10 =	vmul.f32 v13, v5  }
0x138: {  	v13 =	vld [tilespmem:s11+$0x8090];
	[tilespmem:s0+$0x10180] =	vst v9;
	v9 =	vmul.f32 v14, v6  }
0x139: {  	v14 =	vld [tilespmem:s11+$0x8110];
	[tilespmem:s0+$0x10200] =	vst v10;
	v10 =	vmul.f32 v16, v7  }
0x13a: {  	p1 =	slt.u32 s1, $0x7E0;
	v16 =	vld [tilespmem:s11+$0x8190];
	[tilespmem:s0+$0x10280] =	vst v9;
	v9 =	vmul.f32 v12, v7;
	s0 =	smov.u32 s11  }
0x13b: {  	v12 =	vld [tilespmem:s0+$0x8210];
	[tilespmem:s8+$0x10000] =	vst v10;
	v10 =	vmul.f32 v11, v8;
	s8 =	smov.u32 s13  }
0x13c: {  	s11 =	sor.u32 $0x380, s14;
	v11 =	vmul.f32 v15, v1;
	v15 =	vld [tilespmem:s0+$0x8290];
	[tilespmem:s15+$0x10000] =	vst v9  }
0x13d: {  	v13 =	vmul.f32 v13, v2;
	v17 =	vld [tilespmem:s11+$0x8000];
	[tilespmem:s6+$0x10000] =	vst v10;
	s6 =	smov.u32 s7;
	s7 =	smov.u32 s12  }
0x13e: {  	v18 =	vld [tilespmem:s0+$0x8000];
	[tilespmem:s0+$0x10010] =	vst v11;
	v11 =	vmul.f32 v14, v3  }
.Ltmp4:
0x13f: {  	s9 =	sadd.s32 $0x1, s9;
	v9 =	vld [tilespmem:s0+$0x8080];
	[tilespmem:s0+$0x10090] =	vst v13;
	v13 =	vmul.f32 v16, v4;
	(pc) =	sbr.rel @p1 .LBB2_7-.Ltmp4, $4  }
0x140: {  	s12 =	sand.u32 $0x3, s9;
	v10 =	vld [tilespmem:s0+$0x8100];
	[tilespmem:s0+$0x10110] =	vst v11;
	v12 =	vmul.f32 v12, v5  }
0x141: {  	s12 =	sshll.u32 s12, $0x5;
	v11 =	vld [tilespmem:s0+$0x8180];
	[tilespmem:s0+$0x10190] =	vst v13;
	v16 =	vmul.f32 v15, v6  }
0x142: {  	s14 =	sadd.s32 s12, s2;
	v13 =	vld [tilespmem:s0+$0x8200];
	[tilespmem:s0+$0x10210] =	vst v12;
	v12 =	vmul.f32 v17, v8  }
0x143: {  	s13 =	sor.u32 $0x300, s14;
	s12 =	sor.u32 $0x380, s14;
	s14 =	sadd.s32 $0x10, s14;
	v15 =	vmul.f32 v18, v1;
	v14 =	vld [tilespmem:s0+$0x8280];
	[tilespmem:s0+$0x10290] =	vst v16  }
0x144: {  	v1 =	vmul.f32 v9, v2  }
0x145: {  	[tilespmem:s0+$0x10000] =	vst v15;
	v2 =	vmul.f32 v10, v3  }
0x146: {  	[tilespmem:s0+$0x10080] =	vst v1;
	v1 =	vmul.f32 v11, v4  }
0x147: {  	[tilespmem:s0+$0x10100] =	vst v2;
	v2 =	vmul.f32 v13, v5  }
0x148: {  	s1 =	sor.u32 $0x300, s14;
	[tilespmem:s0+$0x10180] =	vst v1;
	v1 =	vmul.f32 v14, v6  }
0x149: {  	v3 =	vld [tilespmem:s1+$0x8000];
	[tilespmem:s0+$0x10200] =	vst v2  }
0x14a: {  	v2 =	vld [tilespmem:s8+$0x8000];
	[tilespmem:s0+$0x10280] =	vst v1  }
0x14b: {  	v1 =	vld [tilespmem:s13+$0x8000];
	_ =	sdelay $0x2  }
0x14c: {  	v3 =	vmul.f32 v3, v7  }
0x14d: {  	v2 =	vmul.f32 v2, v7  }
0x14e: {  	s9 =	sor.u32 $0x380, s14;
	v4 =	vld [tilespmem:s6+$0x8000];
	[tilespmem:s1+$0x10000] =	vst v3;
	v1 =	vmul.f32 v1, v7  }
0x14f: {  	[tilespmem:s8+$0x10000] =	vst v2;
	v2 =	vld [tilespmem:s9+$0x8000]  }
0x150: {  	v3 =	vld [tilespmem:s7+$0x8000];
	[tilespmem:s13+$0x10000] =	vst v1  }
0x151: {  	v1 =	vld [tilespmem:s12+$0x8000];
	_ =	sdelay $0x1  }
0x152: {  	v4 =	vmul.f32 v4, v8  }
0x153: {  	[tilespmem:s11+$0x10000] =	vst v12;
	v2 =	vmul.f32 v2, v8  }
0x154: {  	[tilespmem:s6+$0x10000] =	vst v4;
	v3 =	vmul.f32 v3, v8  }
0x155: {  	s14 =	sor.u32 s5, s3;
	s15 =	rddreg [dreg:$0x2];
	[tilespmem:s9+$0x10000] =	vst v2;
	v1 =	vmul.f32 v1, v8  }
0x156: {  	s29 =	simm.s32 $0x0;
	s16 =	simm.s32 $0x10000;
	s28 =	sshll.u32 s14, $0x8;
	[tilespmem:s7+$0x10000] =	vst v3  }
0x157: {  	s17 =	simm.s32 $0x0;
	s18 =	simm.s32 $0x4;
	s0 =	sadd.s32 s15, s28;
	[tilespmem:s12+$0x10000] =	vst v1  }
0x158: {  	[hbm4b:s0+s29] =	stream.linear.scatter [tilespmem:s16], [sflag:$0x3], $0x4000, $0x38;
	[tilespmem:$0x18800] =	vst v63  }
0x159: {  	s31 =	sand.u32 $0x60, s17;
	s12 =	sand.u32 $0x3C00, s29;
	_ =	swait.ge [sflag:s18], $0x4000  }
0x15a: {  	s7 =	sor.u32 $0x10, s31;
	s19 =	sor.u32 $0xC000, s12;
	[sflag:s18] =	ssyncset.done $0x0  }
0x15b: {  	s20 =	sor.u32 s7, s19;
	[sflag:s18] =	ssyncadd.s32 $0xFFFFC000  }
0x15c: {  	v2 =	vld [tilespmem:s20+$0x0]  }
0x15d: {  	s0 =	sor.u32 s31, s19  }
0x15e: {  	v3 =	vld [tilespmem:s0+$0x0]  }
0x15f: {  	v1 =	vbroadcast v0, $0x8;
	_ =	sdelay $0x1  }
0x160: {  	s21 =	sor.u32 $0x14000, s12;
	v2 =	vmul.f32 v2, v1  }
0x161: {  	s22 =	sor.u32 $0xC080, s12;
	s11 =	sor.u32 s7, s21  }
0x162: {  	s2 =	sor.u32 s7, s22;
	v3 =	vmul.f32 v3, v1;
	[tilespmem:s11+$0x0] =	vst v2  }
0x163: {  	s3 =	sor.u32 s31, s21;
	v4 =	vld [tilespmem:s2+$0x0]  }
0x164: {  	s23 =	sor.u32 s31, s22;
	[tilespmem:s3+$0x0] =	vst v3  }
0x165: {  	v3 =	vld [tilespmem:s23+$0x0]  }
0x166: {  	v2 =	vbroadcast v0, $0x9;
	_ =	sdelay $0x1  }
0x167: {  	v4 =	vmul.f32 v4, v2  }
0x168: {  	s24 =	sor.u32 $0xC100, s12  }
0x169: {  	s2 =	sor.u32 s7, s24;
	v5 =	vmul.f32 v3, v2;
	[tilespmem:s11+$0x80] =	vst v4  }
0x16a: {  	s15 =	simm.s32 $0x100;
	s6 =	simm.s32 $0x20;
	v4 =	vld [tilespmem:s2+$0x0]  }
0x16b: {  	s30 =	sand.u32 $0x60, s6;
	s1 =	sor.u32 s31, s24;
	s0 =	sand.u32 $0x3C00, s15;
	[tilespmem:s3+$0x80] =	vst v5  }
0x16c: {  	s8 =	sor.u32 $0xC000, s0;
	s2 =	sor.u32 $0x10, s30;
	v5 =	vld [tilespmem:s1+$0x0]  }
0x16d: {  	v3 =	vbroadcast v0, $0xA;
	s9 =	sor.u32 s2, s8  }
0x16e: {  	s6 =	sor.u32 s30, s8;
	v6 =	vld [tilespmem:s9+$0x0]  }
0x16f: {  	v7 =	vld [tilespmem:s6+$0x0];
	v4 =	vmul.f32 v4, v3  }
0x170: {  	s13 =	sor.u32 $0xC180, s12  }
0x171: {  	s14 =	sor.u32 s7, s13;
	v5 =	vmul.f32 v5, v3;
	[tilespmem:s11+$0x100] =	vst v4  }
0x172: {  	v8 =	vld [tilespmem:s14+$0x0]  }
0x173: {  	s16 =	sor.u32 $0x14000, s0;
	s1 =	sor.u32 s31, s13;
	v6 =	vmul.f32 v6, v1;
	[tilespmem:s3+$0x100] =	vst v5  }
0x174: {  	s6 =	sor.u32 s2, s16;
	s9 =	sor.u32 $0xC080, s0;
	v5 =	vmul.f32 v7, v1;
	v7 =	vld [tilespmem:s1+$0x0]  }
0x175: {  	s13 =	sor.u32 s30, s16;
	s17 =	sor.u32 s2, s9;
	v4 =	vbroadcast v0, $0xB;
	[tilespmem:s6+$0x0] =	vst v6  }
0x176: {  	s18 =	sor.u32 s30, s9;
	[tilespmem:s13+$0x0] =	vst v5;
	v6 =	vld [tilespmem:s17+$0x0]  }
0x177: {  	v5 =	vmul.f32 v8, v4;
	v8 =	vld [tilespmem:s18+$0x0]  }
0x178: {  	s19 =	sor.u32 $0xC200, s12  }
0x179: {  	s20 =	sor.u32 s7, s19;
	v7 =	vmul.f32 v7, v4;
	[tilespmem:s11+$0x180] =	vst v5  }
0x17a: {  	v9 =	vld [tilespmem:s20+$0x0]  }
0x17b: {  	s21 =	sor.u32 s31, s19;
	v6 =	vmul.f32 v6, v2;
	[tilespmem:s3+$0x180] =	vst v7  }
0x17c: {  	s17 =	sor.u32 $0xC100, s0;
	v7 =	vmul.f32 v8, v2;
	v8 =	vld [tilespmem:s21+$0x0]  }
0x17d: {  	s14 =	simm.s32 $0x40;
	s1 =	simm.s32 $0x200;
	s22 =	sor.u32 s2, s17;
	v5 =	vbroadcast v0, $0xC;
	[tilespmem:s6+$0x80] =	vst v6  }
0x17e: {  	s16 =	sand.u32 $0x60, s14;
	s9 =	sand.u32 $0x3C00, s1;
	s17 =	sor.u32 s30, s17;
	v6 =	vld [tilespmem:s22+$0x0];
	[tilespmem:s13+$0x80] =	vst v7  }
0x17f: {  	s8 =	sor.u32 $0x10, s16;
	s18 =	sor.u32 $0xC000, s9;
	v7 =	vmul.f32 v9, v5;
	v9 =	vld [tilespmem:s17+$0x0]  }
0x180: {  	s19 =	sor.u32 $0xC280, s12;
	s23 =	sor.u32 s8, s18  }
0x181: {  	s24 =	sor.u32 s7, s19;
	v10 =	vld [tilespmem:s23+$0x0];
	[tilespmem:s11+$0x200] =	vst v7;
	v8 =	vmul.f32 v8, v5  }
0x182: {  	s18 =	sor.u32 s16, s18;
	v7 =	vld [tilespmem:s24+$0x0]  }
0x183: {  	s19 =	sor.u32 s31, s19;
	v11 =	vld [tilespmem:s18+$0x0];
	v12 =	vmul.f32 v6, v3;
	[tilespmem:s3+$0x200] =	vst v8  }
0x184: {  	s20 =	sor.u32 $0xC180, s0;
	v8 =	vmul.f32 v9, v3;
	v9 =	vld [tilespmem:s19+$0x0]  }
0x185: {  	s21 =	sor.u32 s2, s20;
	v6 =	vbroadcast v0, $0xD;
	[tilespmem:s6+$0x100] =	vst v12  }
0x186: {  	s18 =	sor.u32 s30, s20;
	s22 =	sor.u32 $0x14000, s9;
	v10 =	vmul.f32 v10, v1;
	[tilespmem:s13+$0x100] =	vst v8;
	v8 =	vld [tilespmem:s21+$0x0]  }
0x187: {  	s20 =	sor.u32 $0xC080, s9;
	s24 =	sor.u32 s8, s22;
	v7 =	vmul.f32 v7, v6;
	v12 =	vld [tilespmem:s18+$0x0]  }
0x188: {  	s23 =	sor.u32 s8, s20;
	v11 =	vmul.f32 v11, v1;
	[tilespmem:s24+$0x0] =	vst v10;
	s21 =	sor.u32 $0xC300, s12  }
0x189: {  	s17 =	sor.u32 s16, s22;
	v10 =	vld [tilespmem:s23+$0x0];
	s19 =	sor.u32 s7, s21;
	[tilespmem:s11+$0x280] =	vst v7;
	v7 =	vmul.f32 v9, v6  }
0x18a: {  	[tilespmem:s17+$0x0] =	vst v11;
	s22 =	sor.u32 s16, s20;
	v13 =	vld [tilespmem:s19+$0x0]  }
0x18b: {  	v14 =	vld [tilespmem:s22+$0x0];
	s21 =	sor.u32 s31, s21;
	v9 =	vmul.f32 v8, v4;
	[tilespmem:s3+$0x280] =	vst v7  }
0x18c: {  	s23 =	sor.u32 $0xC200, s0;
	s19 =	sand.u32 $0x3, s29;
	v11 =	vmul.f32 v12, v4;
	v8 =	vld [tilespmem:s21+$0x0]  }
0x18d: {  	s20 =	sor.u32 s30, s23;
	s23 =	sor.u32 s2, s23;
	s22 =	sshll.u32 s19, $0x5;
	v7 =	vbroadcast v0, $0xE;
	[tilespmem:s6+$0x180] =	vst v9  }
0x18e: {  	v15 =	vmul.f32 v10, v2;
	s11 =	sadd.s32 $0x0, s22;
	s21 =	sor.u32 $0xC100, s9;
	[tilespmem:s13+$0x180] =	vst v11;
	v10 =	vld [tilespmem:s23+$0x0]  }
0x18f: {  	s19 =	sor.u32 $0x300, s11;
	s3 =	sadd.s32 $0x10, s11;
	s22 =	sor.u32 s8, s21;
	v11 =	vld [tilespmem:s20+$0x0];
	v9 =	vmul.f32 v13, v7  }
0x190: {  	v0 =	vbroadcast v0, $0xF;
	[tilespmem:s24+$0x80] =	vst v15;
	v12 =	vmul.f32 v14, v2;
	s18 =	sor.u32 $0x300, s3;
	s20 =	sor.u32 $0xC380, s12;
	s12 =	simm.s32 $0x200  }
.LBB2_9:
0x191: {  	s14 =	sadd.s32 $0x20, s14;
	v13 =	vld [tilespmem:s22+$0x0];
	s1 =	sadd.s32 $0x100, s1;
	v8 =	vmul.f32 v8, v7;
	[tilespmem:s18+$0x14000] =	vst v9;
	s7 =	sor.u32 s7, s20  }
0x192: {  	s21 =	sor.u32 s16, s21;
	s18 =	sand.u32 $0x60, s14;
	s22 =	sand.u32 $0x3C00, s1;
	[tilespmem:s17+$0x80] =	vst v12;
	v9 =	vld [tilespmem:s7+$0x0]  }
0x193: {  	s7 =	sor.u32 $0xC000, s22;
	s23 =	sor.u32 $0x10, s18;
	v12 =	vld [tilespmem:s21+$0x0];
	v10 =	vmul.f32 v10, v5;
	[tilespmem:s19+$0x14000] =	vst v8;
	s19 =	sor.u32 s31, s20  }
0x194: {  	s21 =	sor.u32 $0xC280, s0;
	s20 =	sor.u32 s18, s7;
	s7 =	sor.u32 s23, s7;
	v8 =	vmul.f32 v11, v5;
	v11 =	vld [tilespmem:s19+$0x0]  }
0x195: {  	s11 =	sor.u32 $0x380, s11;
	s19 =	sor.u32 s2, s21;
	v14 =	vld [tilespmem:s7+$0x0];
	s7 =	sor.u32 s30, s21;
	[tilespmem:s6+$0x200] =	vst v10  }
0x196: {  	p1 =	slt.u32 s14, $0x7E0;
	s31 =	smov.u32 s30;
	s30 =	smov.u32 s16;
	v10 =	vmul.f32 v13, v3;
	[tilespmem:s13+$0x200] =	vst v8;
	v8 =	vld [tilespmem:s19+$0x0]  }
0x197: {  	s16 =	smov.u32 s18;
	v13 =	vld [tilespmem:s20+$0x0];
	v9 =	vmul.f32 v9, v0;
	s20 =	smov.u32 s0;
	s0 =	smov.u32 s9  }
0x198: {  	s3 =	sor.u32 $0x380, s3;
	s9 =	smov.u32 s22;
	v12 =	vmul.f32 v12, v3;
	s18 =	sor.u32 $0xC180, s0;
	[tilespmem:s24+$0x100] =	vst v10;
	v10 =	vld [tilespmem:s7+$0x0]  }
0x199: {  	s7 =	smov.u32 s2;
	s19 =	sor.u32 s30, s18;
	s18 =	sor.u32 s8, s18;
	v11 =	vmul.f32 v11, v0;
	[tilespmem:s3+$0x14000] =	vst v9  }
0x19a: {  	s2 =	smov.u32 s8;
	s3 =	sor.u32 $0x14000, s9;
	s8 =	smov.u32 s23;
	v9 =	vmul.f32 v14, v1;
	[tilespmem:s17+$0x100] =	vst v12;
	v12 =	vld [tilespmem:s18+$0x0]  }
0x19b: {  	s21 =	sor.u32 $0xC080, s9;
	s18 =	sor.u32 s16, s3;
	s3 =	sor.u32 s8, s3;
	v14 =	vld [tilespmem:s19+$0x0];
	v8 =	vmul.f32 v8, v6;
	[tilespmem:s11+$0x14000] =	vst v11  }
0x19c: {  	s11 =	sor.u32 s16, s21;
	s19 =	sor.u32 s8, s21;
	s21 =	sor.u32 $0xC300, s20;
	v11 =	vmul.f32 v13, v1;
	[tilespmem:s3+$0x0] =	vst v9  }
0x19d: {  	v9 =	vld [tilespmem:s19+$0x0];
	v10 =	vmul.f32 v10, v6;
	s19 =	sor.u32 s31, s21;
	[tilespmem:s6+$0x280] =	vst v8;
	s21 =	sor.u32 s7, s21;
	s6 =	smov.u32 s24  }
0x19e: {  	s24 =	smov.u32 s3;
	[tilespmem:s18+$0x0] =	vst v11;
	v13 =	vld [tilespmem:s21+$0x0]  }
0x19f: {  	s29 =	sadd.s32 $0x1, s29;
	v15 =	vld [tilespmem:s11+$0x0];
	v11 =	vmul.f32 v12, v4;
	[tilespmem:s13+$0x280] =	vst v10;
	s13 =	smov.u32 s17;
	s17 =	smov.u32 s18  }
.Ltmp5:
0x1a0: {  	s3 =	sor.u32 $0xC200, s0;
	s11 =	sand.u32 $0x3, s29;
	v10 =	vmul.f32 v14, v4;
	v8 =	vld [tilespmem:s19+$0x0];
	(pc) =	sbr.rel @p1 .LBB2_9-.Ltmp5, $4  }
0x1a1: {  	s18 =	sor.u32 s30, s3;
	s3 =	sor.u32 s2, s3;
	s11 =	sshll.u32 s11, $0x5;
	[tilespmem:s6+$0x180] =	vst v11  }
0x1a2: {  	s11 =	sadd.s32 s11, s15;
	s15 =	smov.u32 s12;
	s12 =	smov.u32 s1;
	v14 =	vmul.f32 v9, v2;
	[tilespmem:s13+$0x180] =	vst v10;
	v10 =	vld [tilespmem:s3+$0x0]  }
0x1a3: {  	s21 =	sor.u32 $0xC100, s9;
	s19 =	sor.u32 $0x300, s11;
	s3 =	sadd.s32 $0x10, s11;
	v11 =	vld [tilespmem:s18+$0x0];
	v9 =	vmul.f32 v13, v7  }
0x1a4: {  	s20 =	sor.u32 $0xC380, s20;
	s22 =	sor.u32 s8, s21;
	s18 =	sor.u32 $0x300, s3;
	v12 =	vmul.f32 v15, v2;
	[tilespmem:s24+$0x80] =	vst v14  }
0x1a5: {  	_ = 	snop  }
0x1a6: {  	v1 =	vld [tilespmem:s22+$0x0];
	s1 =	sor.u32 s16, s21;
	[tilespmem:s17+$0x80] =	vst v12  }
0x1a7: {  	v2 =	vld [tilespmem:s1+$0x0];
	_ =	sdelay $0x3  }
0x1a8: {  	v1 =	vmul.f32 v1, v3  }
0x1a9: {  	s21 =	sor.u32 $0xC180, s9;
	v2 =	vmul.f32 v2, v3  }
0x1aa: {  	s14 =	sor.u32 s8, s21;
	[tilespmem:s24+$0x100] =	vst v1  }
0x1ab: {  	s1 =	sor.u32 s16, s21;
	v1 =	vld [tilespmem:s14+$0x0];
	[tilespmem:s17+$0x100] =	vst v2  }
0x1ac: {  	v2 =	vld [tilespmem:s1+$0x0];
	_ =	sdelay $0x3  }
0x1ad: {  	v1 =	vmul.f32 v1, v4  }
0x1ae: {  	s22 =	sor.u32 $0xC200, s9;
	v2 =	vmul.f32 v2, v4  }
0x1af: {  	s23 =	sor.u32 s8, s22;
	[tilespmem:s24+$0x180] =	vst v1  }
0x1b0: {  	s1 =	sor.u32 s16, s22;
	v1 =	vld [tilespmem:s23+$0x0];
	[tilespmem:s17+$0x180] =	vst v2  }
0x1b1: {  	v2 =	vld [tilespmem:s1+$0x0];
	_ =	sdelay $0x1  }
0x1b2: {  	v55 =	vmul.f32 v10, v5  }
0x1b3: {  	v56 =	vmul.f32 v11, v5;
	s14 =	sor.u32 $0xC280, s0  }
0x1b4: {  	[tilespmem:s6+$0x200] =	vst v55;
	s21 =	sor.u32 s2, s14;
	v1 =	vmul.f32 v1, v5  }
0x1b5: {  	[tilespmem:s13+$0x200] =	vst v56;
	v3 =	vld [tilespmem:s21+$0x0];
	s22 =	sor.u32 $0xC280, s9;
	s1 =	sor.u32 s30, s14;
	v2 =	vmul.f32 v2, v5  }
0x1b6: {  	s23 =	sor.u32 s8, s22;
	v4 =	vld [tilespmem:s1+$0x0];
	[tilespmem:s24+$0x200] =	vst v1  }
0x1b7: {  	s14 =	sor.u32 s16, s22;
	v1 =	vld [tilespmem:s23+$0x0];
	[tilespmem:s17+$0x200] =	vst v2  }
0x1b8: {  	v2 =	vld [tilespmem:s14+$0x0];
	_ =	sdelay $0x1  }
0x1b9: {  	v3 =	vmul.f32 v3, v6  }
0x1ba: {  	v4 =	vmul.f32 v4, v6;
	s14 =	sor.u32 $0xC300, s0  }
0x1bb: {  	[tilespmem:s6+$0x280] =	vst v3;
	s21 =	sor.u32 s2, s14;
	v1 =	vmul.f32 v1, v6  }
0x1bc: {  	s22 =	sor.u32 $0xC300, s9;
	s23 =	sadd.s32 $0x1, s29;
	[tilespmem:s13+$0x280] =	vst v4;
	s1 =	sor.u32 s30, s14;
	v3 =	vld [tilespmem:s21+$0x0];
	v2 =	vmul.f32 v2, v6  }
0x1bd: {  	s29 =	sand.u32 $0x3, s23;
	v4 =	vld [tilespmem:s1+$0x0];
	[tilespmem:s24+$0x280] =	vst v1;
	s24 =	sor.u32 s8, s22  }
0x1be: {  	s6 =	sor.u32 s16, s22;
	s14 =	sshll.u32 s29, $0x5;
	v1 =	vld [tilespmem:s24+$0x0];
	[tilespmem:s17+$0x280] =	vst v2  }
0x1bf: {  	v57 =	vmul.f32 v8, v7;
	s13 =	sadd.s32 $0x1, s23;
	s1 =	sadd.s32 s14, s15;
	v2 =	vld [tilespmem:s6+$0x0]  }
0x1c0: {  	s21 =	sand.u32 $0x3, s13;
	s23 =	sadd.s32 $0x10, s1  }
0x1c1: {  	[tilespmem:s19+$0x14000] =	vst v57;
	s22 =	sor.u32 s31, s20;
	s17 =	sor.u32 s7, s20;
	v3 =	vmul.f32 v3, v7;
	s7 =	sshll.u32 s21, $0x5  }
0x1c2: {  	[tilespmem:s18+$0x14000] =	vst v9;
	s29 =	sor.u32 $0x300, s23;
	s24 =	sor.u32 $0xC380, s0;
	v5 =	vld [tilespmem:s22+$0x0];
	v4 =	vmul.f32 v4, v7;
	s7 =	sadd.s32 s7, s12  }
0x1c3: {  	s31 =	sor.u32 $0x300, s1;
	v58 =	vld [tilespmem:s17+$0x0];
	s6 =	sor.u32 s2, s24;
	[tilespmem:s29+$0x14000] =	vst v3;
	s13 =	sadd.s32 $0x10, s7;
	v1 =	vmul.f32 v1, v7  }
0x1c4: {  	s15 =	sor.u32 $0xC380, s9;
	s0 =	sor.u32 s30, s24;
	[tilespmem:s31+$0x14000] =	vst v4;
	v3 =	vld [tilespmem:s6+$0x0];
	s17 =	sor.u32 $0x300, s13;
	v2 =	vmul.f32 v2, v7  }
0x1c5: {  	s19 =	sor.u32 s8, s15;
	s18 =	sor.u32 $0x300, s7;
	v4 =	vld [tilespmem:s0+$0x0];
	[tilespmem:s17+$0x14000] =	vst v1  }
0x1c6: {  	s20 =	sor.u32 s16, s15;
	v1 =	vld [tilespmem:s19+$0x0];
	[tilespmem:s18+$0x14000] =	vst v2  }
0x1c7: {  	v5 =	vmul.f32 v5, v0;
	v60 =	vld [tilespmem:s20+$0x0]  }
0x1c8: {  	s22 =	sor.u32 $0x380, s11;
	v59 =	vmul.f32 v58, v0  }
0x1c9: {  	s21 =	sor.u32 $0x380, s3;
	[tilespmem:s22+$0x14000] =	vst v5;
	v61 =	vmul.f32 v3, v0  }
0x1ca: {  	s23 =	sor.u32 $0x380, s23;
	[tilespmem:s21+$0x14000] =	vst v59;
	v62 =	vmul.f32 v4, v0  }
.Ltmp6:
0x1cb: {  	s1 =	sor.u32 $0x380, s1;
	[tilespmem:s23+$0x14000] =	vst v61;
	v1 =	vmul.f32 v1, v0;
	(pc) =	sbr.rel @p0 .LBB2_12-.Ltmp6, $4  }
0x1cc: {  	s24 =	sor.u32 $0x380, s13;
	[tilespmem:s1+$0x14000] =	vst v62;
	v63 =	vmul.f32 v60, v0  }
0x1cd: {  	s29 =	sor.u32 $0x380, s7;
	[tilespmem:s24+$0x14000] =	vst v1  }
0x1ce: {  	s30 =	sadd.s32 s28, s10;
	s31 =	simm.s32 $0x14000;
	[tilespmem:s29+$0x14000] =	vst v63  }
0x1cf: {  	[hbm4b:s30+s4] =	stream.linear.scatter [tilespmem:s31], [sflag:$0x4], $0x4000, $0x38;
	[tilespmem:$0x18800] =	vst v63  }
.Ltmp7:
0x1d0: {  	s0 =	rddreg [dreg:$0x9];
	(pc) =	sbr.rel .LBB2_2-.Ltmp7, $4  }
0x1d1: {  	s0 =	sadd.s32 s26, s0  }
0x1d2: {  	s1 =	rddreg [dreg:$0x0];
	s0 =	sshll.u32 s0, $0x8  }
0x1d3: {  	s31 =	simm.s32 $0x8000;
	s25 =	sadd.s32 $0x1, s25;
	s0 =	sadd.s32 s1, s0  }
0x1d4: {  	[tilespmem:s31], [sflag:$0x2] =	stream.linear.gather [hbm4b:s0+s4], $0x8000, $0x38;
	[tilespmem:$0x18800] =	vst v63  }
.LBB2_13:
0x1d5: {  	_ =	sfence.sel $0x180000  }
0x1d6: {  	[bflag:$0x0] =	sbarrier.arrive $0xFFFF  }
0x1d7: {  	_ =	strace $0x90000047  }
0x1d8: {  	s0 =	stileid.u32;
	[bflag:$0x2] =	sbarrier.arrive $0xFFFF  }
0x1d9: {  	p0 =	sne.s32 s0, $0x0;
	s0 =	rddreg [dreg:$0x3]  }
0x1da: {  	s0 =	sadd.s32 @!p0 $0x100000, s0  }
0x1db: {  	[sflag:s0] =	ssyncadd.tile.s32 @!p0 $0x1;
	_ =	shalt  }
.Lfunc_end2:
_tile_overlayer_lowered:
.L_overlay_start_2:
0x1dc: {  	(tag) =	ssettag $0x2  }
0x1dd: {  	s0 =	rddreg [dreg:$0x0];
	s2 =	stileid.u32  }
0x1de: {  	s1 =	rddreg [dreg:$0x1];
	p0 =	sne.s32 s2, $0x0  }
0x1df: {  	s3 =	rddreg [dreg:$0x2];
	[bflag:$0x3] =	sbarrier.arrive $0xFFFF;
	s2 =	simm.s32 @!p0 $0x1C06  }
0x1e0: {  	[timem:s3], [sflag:s2] =	dma.local @!p0 [hbm:s0], s1  }
0x1e1: {  	s0 =	simm.s32 @!p0 $0x6  }
0x1e2: {  	_ =	swait.ge @!p0 [sflag:s0], s1  }
0x1e3: {  	s1 =	ssub.s32 @!p0 $0x0, s1;
	[sflag:s0] =	ssyncset.done @!p0 $0x0  }
0x1e4: {  	[sflag:s0] =	ssyncadd.s32 @!p0 s1  }
0x1e5: {  	[bflag:$0x3] =	sbarrier.arrive $0xFFFF  }
0x1e6: {  	_ =	shalt  }

</sc_bundles>
